<compile_context>
chip_gen: v7x
topology: tpu7x:2x2x1
jax: 0.10.2.dev20260603
libtpu: 0.0.44.dev20260713+nightly
codegen_flags: <defaults>
</compile_context>

<pallas_src>
import jax
import jax.numpy as jnp
from jax import lax
from jax.experimental import pallas as pl
from jax.experimental.pallas import tpu as pltpu
from jax.experimental.pallas import tpu_sc as plsc

N_NODES = 10000
N_EDGES = 160000
D = 256
HALF = 128
EPS1 = 1.5

NUM_SC = 2
NUM_SUBCORES = 16
BATCH = 128
NB = 79
SLAB = 40
E_PER_TILE = NB * BATCH
E_PAD = NUM_SUBCORES * E_PER_TILE
ACC_ROWS = 10240
ZSTRIPE = ACC_ROWS // NUM_SUBCORES


def _sc_agg_kernel(xs_hbm, src_hbm, dst_hbm, zeros_hbm, out_hbm, acc, src_v,
                   dst_v, rows_a, sem_ga):
    c = lax.axis_index("c")
    s = lax.axis_index("s")

    pltpu.sync_copy(zeros_hbm, rows_a)
    for k in range(ZSTRIPE // BATCH):
        pltpu.sync_copy(rows_a, acc.at[pl.ds(s * ZSTRIPE + k * BATCH, BATCH)])
    rem = ZSTRIPE % BATCH
    if rem:
        pltpu.sync_copy(
            rows_a.at[pl.ds(0, rem)],
            acc.at[pl.ds(s * ZSTRIPE + (ZSTRIPE // BATCH) * BATCH, rem)])

    plsc.subcore_barrier()

    pltpu.sync_copy(src_hbm.at[s], src_v)
    pltpu.sync_copy(dst_hbm.at[s], dst_v)

    @pl.loop(0, NB)
    def _(j):
        pltpu.async_copy(xs_hbm.at[src_v.at[j], pl.ds(c * HALF, HALF)],
                         rows_a, sem_ga).wait()
        pltpu.sync_copy(rows_a, acc.at[dst_v.at[j]], add=True)

    plsc.subcore_barrier()

    pltpu.sync_copy(acc.at[pl.ds(s * ZSTRIPE, ZSTRIPE)],
                    out_hbm.at[c, pl.ds(s * ZSTRIPE, ZSTRIPE)])


def _sc_aggregate(xs, srcs, dsts):
    mesh = plsc.VectorSubcoreMesh(core_axis_name="c", subcore_axis_name="s")
    kern = pl.kernel(
        _sc_agg_kernel,
        out_type=jax.ShapeDtypeStruct((NUM_SC, ACC_ROWS, HALF), jnp.float32),
        mesh=mesh,
        scratch_types=[
            pltpu.VMEM_SHARED((ACC_ROWS, HALF), jnp.float32),
            pltpu.VMEM((NB, BATCH), jnp.int32),
            pltpu.VMEM((NB, BATCH), jnp.int32),
            pltpu.VMEM((BATCH, HALF), jnp.float32),
            pltpu.SemaphoreType.DMA,
        ],
    )
    zeros = jnp.zeros((BATCH, HALF), jnp.float32)
    return kern(xs, srcs, dsts, zeros)


def _mm_body(x_ref, lo_ref, hi_ref, w_ref, o_ref):
    agg = jnp.concatenate([lo_ref[0], hi_ref[0]], axis=-1)
    xa = EPS1 * x_ref[...] + agg
    o_ref[...] = jnp.dot(xa, w_ref[...], preferred_element_type=jnp.float32)


def _tc_linear(x, agg_pad, W):
    rows = 1000
    grid = (N_NODES // rows,)
    return pl.pallas_call(
        _mm_body,
        grid=grid,
        in_specs=[
            pl.BlockSpec((rows, D), lambda i: (i, 0)),
            pl.BlockSpec((1, rows, HALF), lambda i: (0, i, 0)),
            pl.BlockSpec((1, rows, HALF), lambda i: (1, i, 0)),
            pl.BlockSpec((D, D), lambda i: (0, 0)),
        ],
        out_specs=pl.BlockSpec((rows, D), lambda i: (i, 0)),
        out_shape=jax.ShapeDtypeStruct((N_NODES, D), jnp.float32),
    )(x, agg_pad, agg_pad, W)


def kernel(x, edge_index, W):
    src = edge_index[0].astype(jnp.int32)
    dst = edge_index[1].astype(jnp.int32)

    pad = E_PAD - N_EDGES
    src_p = jnp.concatenate([src, jnp.zeros((pad,), jnp.int32)])
    dst_p = jnp.concatenate([dst, jnp.full((pad,), N_NODES, jnp.int32)])
    srcs = src_p.reshape(NUM_SUBCORES, NB, BATCH)
    dsts = dst_p.reshape(NUM_SUBCORES, NB, BATCH)

    agg_pad = _sc_aggregate(x, srcs, dsts)
    return _tc_linear(x, agg_pad, W)

# --- scband reference (transcript-rebuilt; emitter-appended) ---
"""Pipeline reference for scband-ginconv-18141941859012 (READ-ONLY COPY).

The authoritative reference and input builder live on the scoring server;
editing this copy changes nothing except your own understanding.
"""

import jax, jax.numpy as jnp
import numpy as np

N_NODES = 10000
N_EDGES = 160000
D_IN = 256
D_OUT = 256
EPSILON = 0.5


def setup_inputs(seed: int = 0) -> dict:
    key = jax.random.key(seed)
    k1, k2, k3 = jax.random.split(key, 3)
    x = jax.random.normal(k1, (N_NODES, D_IN), dtype=jnp.float32)
    edge_index = jax.random.randint(k2, (2, N_EDGES), 0, N_NODES, dtype=jnp.int64)
    # weight initialized uniform(-stdv, stdv) with stdv = 1/sqrt(output_dim), per reset_parameters
    stdv = 1.0 / np.sqrt(D_OUT)
    W = jax.random.uniform(k3, (D_IN, D_OUT), dtype=jnp.float32, minval=-stdv, maxval=stdv)
    return {"x": x, "edge_index": edge_index, "W": W}


def reference(x, edge_index, W):
    # GIN aggregation: X_agg = (1 + eps) * X + sum_{j in N(i)} X_j
    # (custom CUDA kernel forward_gin over CSR, expressed here as edge-list scatter-add)
    src = edge_index[0]
    dst = edge_index[1]
    messages = jnp.take(x, src, axis=0)              # gather neighbor features [E, D]
    agg = jax.ops.segment_sum(messages, dst, num_segments=x.shape[0])  # scatter-add to dst nodes
    x_agg = (1.0 + EPSILON) * x + agg
    # X_prime = X_agg @ W
    x_prime = x_agg @ W
    return x_prime

if __name__ == "__main__":
    import jax
    _d = setup_inputs()
    print(jax.jit(kernel)(*tuple(_d.values())))

</pallas_src>

<mosaic_0001>
#map = affine_map<(d0, d1) -> (0, 0)>
#map1 = affine_map<(d0, d1) -> (0, 0, 0)>
module attributes {stable_mosaic.version = 14 : i64} {
  func.func @_sc_agg_kernel(%arg0: i32, %arg1: i32, %arg2: memref<10000x256xf32, #tpu.memory_space<hbm>>, %arg3: memref<16x79x128xi32, #tpu.memory_space<hbm>>, %arg4: memref<16x79x128xi32, #tpu.memory_space<hbm>>, %arg5: memref<128x128xf32, #tpu.memory_space<hbm>>, %arg6: memref<2x10240x128xf32, #tpu.memory_space<hbm>>, %arg7: memref<10240x128xf32, #tpu.memory_space<vmem_shared>>, %arg8: memref<79x128xi32, #tpu.memory_space<vmem>>, %arg9: memref<79x128xi32, #tpu.memory_space<vmem>>, %arg10: memref<128x128xf32, #tpu.memory_space<vmem>>, %arg11: memref<!tpu.dma_semaphore, #tpu.memory_space<semaphore_mem>>) attributes {dimension_semantics = [#tpu.dimension_semantics<core_parallel>, #tpu.dimension_semantics<subcore_parallel>], iteration_bounds = array<i64: 2, 16>, scalar_prefetch = 0 : i64, scratch_operands = 5 : i64, tpu.core_type = #tpu.core_type<sc_vector_subcore>, window_params = [{transform_indices = #map}, {transform_indices = #map1}, {transform_indices = #map1}, {transform_indices = #map}, {transform_indices = #map1}]} {
    "tpu.region"() ({
      %run_scoped3A = tpu.sem_alloc : memref<!tpu.dma_semaphore, #tpu.memory_space<semaphore_mem>>
      tpu.enqueue_dma source(%arg5 : memref<128x128xf32, #tpu.memory_space<hbm>>) target(%arg10 : memref<128x128xf32, #tpu.memory_space<vmem>>) target_semaphore(%run_scoped3A : memref<!tpu.dma_semaphore, #tpu.memory_space<semaphore_mem>>)
      tpu.wait_dma2 semaphore(%run_scoped3A : memref<!tpu.dma_semaphore, #tpu.memory_space<semaphore_mem>>) src(%arg5 : memref<128x128xf32, #tpu.memory_space<hbm>>) dst(%arg10 : memref<128x128xf32, #tpu.memory_space<vmem>>)
      tpu.yield
    }) : () -> ()
    %mul3A = arith.constant 640 : i32
    %mul3A_0 = arith.muli %arg1, %mul3A : i32
    %add3A = arith.constant 0 : i32
    %add3A_1 = arith.addi %mul3A_0, %add3A : i32
    "tpu.region"() ({
      %run_scoped3A = tpu.sem_alloc : memref<!tpu.dma_semaphore, #tpu.memory_space<semaphore_mem>>
      %dma_start3A = arith.constant 0 : i32
      %dma_start3A_27 = tpu.memref_slice %arg7[%add3A_1, %dma_start3A] : memref<10240x128xf32, #tpu.memory_space<vmem_shared>> -> memref<128x128xf32, #tpu.memory_space<vmem_shared>>
      %dma_start3A_28 = arith.constant 0 : i32
      %dma_start3A_29 = tpu.memref_slice %arg7[%add3A_1, %dma_start3A_28] : memref<10240x128xf32, #tpu.memory_space<vmem_shared>> -> memref<128x128xf32, #tpu.memory_space<vmem_shared>>
      tpu.enqueue_dma source(%arg10 : memref<128x128xf32, #tpu.memory_space<vmem>>) target(%dma_start3A_29 : memref<128x128xf32, #tpu.memory_space<vmem_shared>>) target_semaphore(%run_scoped3A : memref<!tpu.dma_semaphore, #tpu.memory_space<semaphore_mem>>)
      %dma_wait3A = arith.constant 0 : i32
      %dma_wait3A_30 = tpu.memref_slice %arg7[%add3A_1, %dma_wait3A] : memref<10240x128xf32, #tpu.memory_space<vmem_shared>> -> memref<128x128xf32, #tpu.memory_space<vmem_shared>>
      %dma_wait3A_31 = arith.constant 0 : i32
      %dma_wait3A_32 = tpu.memref_slice %arg7[%add3A_1, %dma_wait3A_31] : memref<10240x128xf32, #tpu.memory_space<vmem_shared>> -> memref<128x128xf32, #tpu.memory_space<vmem_shared>>
      tpu.wait_dma2 semaphore(%run_scoped3A : memref<!tpu.dma_semaphore, #tpu.memory_space<semaphore_mem>>) src(%arg10 : memref<128x128xf32, #tpu.memory_space<vmem>>) dst(%dma_wait3A_32 : memref<128x128xf32, #tpu.memory_space<vmem_shared>>)
      tpu.yield
    }) : () -> ()
    %mul3A_2 = arith.constant 640 : i32
    %mul3A_3 = arith.muli %arg1, %mul3A_2 : i32
    %add3A_4 = arith.constant 128 : i32
    %add3A_5 = arith.addi %mul3A_3, %add3A_4 : i32
    "tpu.region"() ({
      %run_scoped3A = tpu.sem_alloc : memref<!tpu.dma_semaphore, #tpu.memory_space<semaphore_mem>>
      %dma_start3A = arith.constant 0 : i32
      %dma_start3A_27 = tpu.memref_slice %arg7[%add3A_5, %dma_start3A] : memref<10240x128xf32, #tpu.memory_space<vmem_shared>> -> memref<128x128xf32, #tpu.memory_space<vmem_shared>>
      %dma_start3A_28 = arith.constant 0 : i32
      %dma_start3A_29 = tpu.memref_slice %arg7[%add3A_5, %dma_start3A_28] : memref<10240x128xf32, #tpu.memory_space<vmem_shared>> -> memref<128x128xf32, #tpu.memory_space<vmem_shared>>
      tpu.enqueue_dma source(%arg10 : memref<128x128xf32, #tpu.memory_space<vmem>>) target(%dma_start3A_29 : memref<128x128xf32, #tpu.memory_space<vmem_shared>>) target_semaphore(%run_scoped3A : memref<!tpu.dma_semaphore, #tpu.memory_space<semaphore_mem>>)
      %dma_wait3A = arith.constant 0 : i32
      %dma_wait3A_30 = tpu.memref_slice %arg7[%add3A_5, %dma_wait3A] : memref<10240x128xf32, #tpu.memory_space<vmem_shared>> -> memref<128x128xf32, #tpu.memory_space<vmem_shared>>
      %dma_wait3A_31 = arith.constant 0 : i32
      %dma_wait3A_32 = tpu.memref_slice %arg7[%add3A_5, %dma_wait3A_31] : memref<10240x128xf32, #tpu.memory_space<vmem_shared>> -> memref<128x128xf32, #tpu.memory_space<vmem_shared>>
      tpu.wait_dma2 semaphore(%run_scoped3A : memref<!tpu.dma_semaphore, #tpu.memory_space<semaphore_mem>>) src(%arg10 : memref<128x128xf32, #tpu.memory_space<vmem>>) dst(%dma_wait3A_32 : memref<128x128xf32, #tpu.memory_space<vmem_shared>>)
      tpu.yield
    }) : () -> ()
    %mul3A_6 = arith.constant 640 : i32
    %mul3A_7 = arith.muli %arg1, %mul3A_6 : i32
    %add3A_8 = arith.constant 256 : i32
    %add3A_9 = arith.addi %mul3A_7, %add3A_8 : i32
    "tpu.region"() ({
      %run_scoped3A = tpu.sem_alloc : memref<!tpu.dma_semaphore, #tpu.memory_space<semaphore_mem>>
      %dma_start3A = arith.constant 0 : i32
      %dma_start3A_27 = tpu.memref_slice %arg7[%add3A_9, %dma_start3A] : memref<10240x128xf32, #tpu.memory_space<vmem_shared>> -> memref<128x128xf32, #tpu.memory_space<vmem_shared>>
      %dma_start3A_28 = arith.constant 0 : i32
      %dma_start3A_29 = tpu.memref_slice %arg7[%add3A_9, %dma_start3A_28] : memref<10240x128xf32, #tpu.memory_space<vmem_shared>> -> memref<128x128xf32, #tpu.memory_space<vmem_shared>>
      tpu.enqueue_dma source(%arg10 : memref<128x128xf32, #tpu.memory_space<vmem>>) target(%dma_start3A_29 : memref<128x128xf32, #tpu.memory_space<vmem_shared>>) target_semaphore(%run_scoped3A : memref<!tpu.dma_semaphore, #tpu.memory_space<semaphore_mem>>)
      %dma_wait3A = arith.constant 0 : i32
      %dma_wait3A_30 = tpu.memref_slice %arg7[%add3A_9, %dma_wait3A] : memref<10240x128xf32, #tpu.memory_space<vmem_shared>> -> memref<128x128xf32, #tpu.memory_space<vmem_shared>>
      %dma_wait3A_31 = arith.constant 0 : i32
      %dma_wait3A_32 = tpu.memref_slice %arg7[%add3A_9, %dma_wait3A_31] : memref<10240x128xf32, #tpu.memory_space<vmem_shared>> -> memref<128x128xf32, #tpu.memory_space<vmem_shared>>
      tpu.wait_dma2 semaphore(%run_scoped3A : memref<!tpu.dma_semaphore, #tpu.memory_space<semaphore_mem>>) src(%arg10 : memref<128x128xf32, #tpu.memory_space<vmem>>) dst(%dma_wait3A_32 : memref<128x128xf32, #tpu.memory_space<vmem_shared>>)
      tpu.yield
    }) : () -> ()
    %mul3A_10 = arith.constant 640 : i32
    %mul3A_11 = arith.muli %arg1, %mul3A_10 : i32
    %add3A_12 = arith.constant 384 : i32
    %add3A_13 = arith.addi %mul3A_11, %add3A_12 : i32
    "tpu.region"() ({
      %run_scoped3A = tpu.sem_alloc : memref<!tpu.dma_semaphore, #tpu.memory_space<semaphore_mem>>
      %dma_start3A = arith.constant 0 : i32
      %dma_start3A_27 = tpu.memref_slice %arg7[%add3A_13, %dma_start3A] : memref<10240x128xf32, #tpu.memory_space<vmem_shared>> -> memref<128x128xf32, #tpu.memory_space<vmem_shared>>
      %dma_start3A_28 = arith.constant 0 : i32
      %dma_start3A_29 = tpu.memref_slice %arg7[%add3A_13, %dma_start3A_28] : memref<10240x128xf32, #tpu.memory_space<vmem_shared>> -> memref<128x128xf32, #tpu.memory_space<vmem_shared>>
      tpu.enqueue_dma source(%arg10 : memref<128x128xf32, #tpu.memory_space<vmem>>) target(%dma_start3A_29 : memref<128x128xf32, #tpu.memory_space<vmem_shared>>) target_semaphore(%run_scoped3A : memref<!tpu.dma_semaphore, #tpu.memory_space<semaphore_mem>>)
      %dma_wait3A = arith.constant 0 : i32
      %dma_wait3A_30 = tpu.memref_slice %arg7[%add3A_13, %dma_wait3A] : memref<10240x128xf32, #tpu.memory_space<vmem_shared>> -> memref<128x128xf32, #tpu.memory_space<vmem_shared>>
      %dma_wait3A_31 = arith.constant 0 : i32
      %dma_wait3A_32 = tpu.memref_slice %arg7[%add3A_13, %dma_wait3A_31] : memref<10240x128xf32, #tpu.memory_space<vmem_shared>> -> memref<128x128xf32, #tpu.memory_space<vmem_shared>>
      tpu.wait_dma2 semaphore(%run_scoped3A : memref<!tpu.dma_semaphore, #tpu.memory_space<semaphore_mem>>) src(%arg10 : memref<128x128xf32, #tpu.memory_space<vmem>>) dst(%dma_wait3A_32 : memref<128x128xf32, #tpu.memory_space<vmem_shared>>)
      tpu.yield
    }) : () -> ()
    %mul3A_14 = arith.constant 640 : i32
    %mul3A_15 = arith.muli %arg1, %mul3A_14 : i32
    %add3A_16 = arith.constant 512 : i32
    %add3A_17 = arith.addi %mul3A_15, %add3A_16 : i32
    "tpu.region"() ({
      %run_scoped3A = tpu.sem_alloc : memref<!tpu.dma_semaphore, #tpu.memory_space<semaphore_mem>>
      %dma_start3A = arith.constant 0 : i32
      %dma_start3A_27 = tpu.memref_slice %arg7[%add3A_17, %dma_start3A] : memref<10240x128xf32, #tpu.memory_space<vmem_shared>> -> memref<128x128xf32, #tpu.memory_space<vmem_shared>>
      %dma_start3A_28 = arith.constant 0 : i32
      %dma_start3A_29 = tpu.memref_slice %arg7[%add3A_17, %dma_start3A_28] : memref<10240x128xf32, #tpu.memory_space<vmem_shared>> -> memref<128x128xf32, #tpu.memory_space<vmem_shared>>
      tpu.enqueue_dma source(%arg10 : memref<128x128xf32, #tpu.memory_space<vmem>>) target(%dma_start3A_29 : memref<128x128xf32, #tpu.memory_space<vmem_shared>>) target_semaphore(%run_scoped3A : memref<!tpu.dma_semaphore, #tpu.memory_space<semaphore_mem>>)
      %dma_wait3A = arith.constant 0 : i32
      %dma_wait3A_30 = tpu.memref_slice %arg7[%add3A_17, %dma_wait3A] : memref<10240x128xf32, #tpu.memory_space<vmem_shared>> -> memref<128x128xf32, #tpu.memory_space<vmem_shared>>
      %dma_wait3A_31 = arith.constant 0 : i32
      %dma_wait3A_32 = tpu.memref_slice %arg7[%add3A_17, %dma_wait3A_31] : memref<10240x128xf32, #tpu.memory_space<vmem_shared>> -> memref<128x128xf32, #tpu.memory_space<vmem_shared>>
      tpu.wait_dma2 semaphore(%run_scoped3A : memref<!tpu.dma_semaphore, #tpu.memory_space<semaphore_mem>>) src(%arg10 : memref<128x128xf32, #tpu.memory_space<vmem>>) dst(%dma_wait3A_32 : memref<128x128xf32, #tpu.memory_space<vmem_shared>>)
      tpu.yield
    }) : () -> ()
    %barrier3A = arith.constant 0 : index
    tpu.barrier barrier_id(%barrier3A)
    "tpu.region"() ({
      %run_scoped3A = tpu.sem_alloc : memref<!tpu.dma_semaphore, #tpu.memory_space<semaphore_mem>>
      %dma_start3A = arith.constant 0 : i32
      %dma_start3A_27 = arith.constant 0 : i32
      %dma_start3A_28 = tpu.memref_slice %arg3[%arg1, %dma_start3A, %dma_start3A_27] : memref<16x79x128xi32, #tpu.memory_space<hbm>> -> memref<1x79x128xi32, #tpu.memory_space<hbm>>
      %dma_start3A_29 = tpu.memref_squeeze %dma_start3A_28 : memref<1x79x128xi32, #tpu.memory_space<hbm>> -> memref<79x128xi32, #tpu.memory_space<hbm>>
      %dma_start3A_30 = arith.constant 0 : i32
      %dma_start3A_31 = arith.constant 0 : i32
      %dma_start3A_32 = tpu.memref_slice %arg3[%arg1, %dma_start3A_30, %dma_start3A_31] : memref<16x79x128xi32, #tpu.memory_space<hbm>> -> memref<1x79x128xi32, #tpu.memory_space<hbm>>
      %dma_start3A_33 = tpu.memref_squeeze %dma_start3A_32 : memref<1x79x128xi32, #tpu.memory_space<hbm>> -> memref<79x128xi32, #tpu.memory_space<hbm>>
      tpu.enqueue_dma source(%dma_start3A_33 : memref<79x128xi32, #tpu.memory_space<hbm>>) target(%arg8 : memref<79x128xi32, #tpu.memory_space<vmem>>) target_semaphore(%run_scoped3A : memref<!tpu.dma_semaphore, #tpu.memory_space<semaphore_mem>>)
      %dma_wait3A = arith.constant 0 : i32
      %dma_wait3A_34 = arith.constant 0 : i32
      %dma_wait3A_35 = tpu.memref_slice %arg3[%arg1, %dma_wait3A, %dma_wait3A_34] : memref<16x79x128xi32, #tpu.memory_space<hbm>> -> memref<1x79x128xi32, #tpu.memory_space<hbm>>
      %dma_wait3A_36 = tpu.memref_squeeze %dma_wait3A_35 : memref<1x79x128xi32, #tpu.memory_space<hbm>> -> memref<79x128xi32, #tpu.memory_space<hbm>>
      %dma_wait3A_37 = arith.constant 0 : i32
      %dma_wait3A_38 = arith.constant 0 : i32
      %dma_wait3A_39 = tpu.memref_slice %arg3[%arg1, %dma_wait3A_37, %dma_wait3A_38] : memref<16x79x128xi32, #tpu.memory_space<hbm>> -> memref<1x79x128xi32, #tpu.memory_space<hbm>>
      %dma_wait3A_40 = tpu.memref_squeeze %dma_wait3A_39 : memref<1x79x128xi32, #tpu.memory_space<hbm>> -> memref<79x128xi32, #tpu.memory_space<hbm>>
      tpu.wait_dma2 semaphore(%run_scoped3A : memref<!tpu.dma_semaphore, #tpu.memory_space<semaphore_mem>>) src(%dma_wait3A_40 : memref<79x128xi32, #tpu.memory_space<hbm>>) dst(%arg8 : memref<79x128xi32, #tpu.memory_space<vmem>>)
      tpu.yield
    }) : () -> ()
    "tpu.region"() ({
      %run_scoped3A = tpu.sem_alloc : memref<!tpu.dma_semaphore, #tpu.memory_space<semaphore_mem>>
      %dma_start3A = arith.constant 0 : i32
      %dma_start3A_27 = arith.constant 0 : i32
      %dma_start3A_28 = tpu.memref_slice %arg4[%arg1, %dma_start3A, %dma_start3A_27] : memref<16x79x128xi32, #tpu.memory_space<hbm>> -> memref<1x79x128xi32, #tpu.memory_space<hbm>>
      %dma_start3A_29 = tpu.memref_squeeze %dma_start3A_28 : memref<1x79x128xi32, #tpu.memory_space<hbm>> -> memref<79x128xi32, #tpu.memory_space<hbm>>
      %dma_start3A_30 = arith.constant 0 : i32
      %dma_start3A_31 = arith.constant 0 : i32
      %dma_start3A_32 = tpu.memref_slice %arg4[%arg1, %dma_start3A_30, %dma_start3A_31] : memref<16x79x128xi32, #tpu.memory_space<hbm>> -> memref<1x79x128xi32, #tpu.memory_space<hbm>>
      %dma_start3A_33 = tpu.memref_squeeze %dma_start3A_32 : memref<1x79x128xi32, #tpu.memory_space<hbm>> -> memref<79x128xi32, #tpu.memory_space<hbm>>
      tpu.enqueue_dma source(%dma_start3A_33 : memref<79x128xi32, #tpu.memory_space<hbm>>) target(%arg9 : memref<79x128xi32, #tpu.memory_space<vmem>>) target_semaphore(%run_scoped3A : memref<!tpu.dma_semaphore, #tpu.memory_space<semaphore_mem>>)
      %dma_wait3A = arith.constant 0 : i32
      %dma_wait3A_34 = arith.constant 0 : i32
      %dma_wait3A_35 = tpu.memref_slice %arg4[%arg1, %dma_wait3A, %dma_wait3A_34] : memref<16x79x128xi32, #tpu.memory_space<hbm>> -> memref<1x79x128xi32, #tpu.memory_space<hbm>>
      %dma_wait3A_36 = tpu.memref_squeeze %dma_wait3A_35 : memref<1x79x128xi32, #tpu.memory_space<hbm>> -> memref<79x128xi32, #tpu.memory_space<hbm>>
      %dma_wait3A_37 = arith.constant 0 : i32
      %dma_wait3A_38 = arith.constant 0 : i32
      %dma_wait3A_39 = tpu.memref_slice %arg4[%arg1, %dma_wait3A_37, %dma_wait3A_38] : memref<16x79x128xi32, #tpu.memory_space<hbm>> -> memref<1x79x128xi32, #tpu.memory_space<hbm>>
      %dma_wait3A_40 = tpu.memref_squeeze %dma_wait3A_39 : memref<1x79x128xi32, #tpu.memory_space<hbm>> -> memref<79x128xi32, #tpu.memory_space<hbm>>
      tpu.wait_dma2 semaphore(%run_scoped3A : memref<!tpu.dma_semaphore, #tpu.memory_space<semaphore_mem>>) src(%dma_wait3A_40 : memref<79x128xi32, #tpu.memory_space<hbm>>) dst(%arg9 : memref<79x128xi32, #tpu.memory_space<vmem>>)
      tpu.yield
    }) : () -> ()
    %scan3A = arith.constant 0 : i32
    %scan3A_18 = arith.constant 79 : i32
    %scan3A_19 = arith.addi %scan3A, %scan3A_18 : i32
    %scan3A_20 = arith.constant 1 : i32
    scf.for %scan3A_27 = %scan3A to %scan3A_19 step %scan3A_20  : i32 {
      %mul3A_28 = arith.constant 1 : i32
      %mul3A_29 = arith.muli %scan3A_27, %mul3A_28 : i32
      %add3A_30 = arith.constant 0 : i32
      %add3A_31 = arith.addi %add3A_30, %mul3A_29 : i32
      %mul3A_32 = arith.constant 128 : i32
      %mul3A_33 = arith.muli %arg0, %mul3A_32 : i32
      %dma_start3A = arith.constant 0 : i32
      %dma_start3A_34 = tpu.memref_slice %arg8[%add3A_31, %dma_start3A] : memref<79x128xi32, #tpu.memory_space<vmem>> -> memref<1x128xi32, #tpu.memory_space<vmem>>
      %dma_start3A_35 = tpu.memref_squeeze %dma_start3A_34 : memref<1x128xi32, #tpu.memory_space<vmem>> -> memref<128xi32, #tpu.memory_space<vmem>>
      %dma_start3A_36 = arith.constant 0 : i32
      %dma_start3A_37 = tpu.memref_slice %arg2[%dma_start3A_36, %mul3A_33] : memref<10000x256xf32, #tpu.memory_space<hbm>> -> memref<10000x128xf32, #tpu.memory_space<hbm>>
      tpu.enqueue_indirect_dma source(%dma_start3A_37 : memref<10000x128xf32, #tpu.memory_space<hbm>>) target(%arg10 : memref<128x128xf32, #tpu.memory_space<vmem>>) offsets(%dma_start3A_35 : memref<128xi32, #tpu.memory_space<vmem>>) semaphore(%arg11 : memref<!tpu.dma_semaphore, #tpu.memory_space<semaphore_mem>>)
      %dma_wait3A = arith.constant 0 : i32
      %dma_wait3A_38 = tpu.memref_slice %arg8[%add3A_31, %dma_wait3A] : memref<79x128xi32, #tpu.memory_space<vmem>> -> memref<1x128xi32, #tpu.memory_space<vmem>>
      %dma_wait3A_39 = tpu.memref_squeeze %dma_wait3A_38 : memref<1x128xi32, #tpu.memory_space<vmem>> -> memref<128xi32, #tpu.memory_space<vmem>>
      %dma_wait3A_40 = arith.constant 0 : i32
      %dma_wait3A_41 = tpu.memref_slice %arg2[%dma_wait3A_40, %mul3A_33] : memref<10000x256xf32, #tpu.memory_space<hbm>> -> memref<10000x128xf32, #tpu.memory_space<hbm>>
      tpu.wait_indirect_dma semaphore(%arg11 : memref<!tpu.dma_semaphore, #tpu.memory_space<semaphore_mem>>) src(%dma_wait3A_41 : memref<10000x128xf32, #tpu.memory_space<hbm>>) dst(%arg10 : memref<128x128xf32, #tpu.memory_space<vmem>>)
      "tpu.region"() ({
        %run_scoped3A = tpu.sem_alloc : memref<!tpu.dma_semaphore, #tpu.memory_space<semaphore_mem>>
        %dma_start3A_42 = arith.constant 0 : i32
        %dma_start3A_43 = tpu.memref_slice %arg9[%add3A_31, %dma_start3A_42] : memref<79x128xi32, #tpu.memory_space<vmem>> -> memref<1x128xi32, #tpu.memory_space<vmem>>
        %dma_start3A_44 = tpu.memref_squeeze %dma_start3A_43 : memref<1x128xi32, #tpu.memory_space<vmem>> -> memref<128xi32, #tpu.memory_space<vmem>>
        %dma_start3A_45 = arith.constant 0 : i32
        %dma_start3A_46 = arith.constant 0 : i32
        %dma_start3A_47 = tpu.memref_slice %arg7[%dma_start3A_45, %dma_start3A_46] : memref<10240x128xf32, #tpu.memory_space<vmem_shared>> -> memref<10240x128xf32, #tpu.memory_space<vmem_shared>>
        tpu.enqueue_indirect_dma source(%arg10 : memref<128x128xf32, #tpu.memory_space<vmem>>) target(%dma_start3A_47 : memref<10240x128xf32, #tpu.memory_space<vmem_shared>>) offsets(%dma_start3A_44 : memref<128xi32, #tpu.memory_space<vmem>>) semaphore(%run_scoped3A : memref<!tpu.dma_semaphore, #tpu.memory_space<semaphore_mem>>) {add = true}
        %dma_wait3A_48 = arith.constant 0 : i32
        %dma_wait3A_49 = tpu.memref_slice %arg9[%add3A_31, %dma_wait3A_48] : memref<79x128xi32, #tpu.memory_space<vmem>> -> memref<1x128xi32, #tpu.memory_space<vmem>>
        %dma_wait3A_50 = tpu.memref_squeeze %dma_wait3A_49 : memref<1x128xi32, #tpu.memory_space<vmem>> -> memref<128xi32, #tpu.memory_space<vmem>>
        %dma_wait3A_51 = arith.constant 0 : i32
        %dma_wait3A_52 = arith.constant 0 : i32
        %dma_wait3A_53 = tpu.memref_slice %arg7[%dma_wait3A_51, %dma_wait3A_52] : memref<10240x128xf32, #tpu.memory_space<vmem_shared>> -> memref<10240x128xf32, #tpu.memory_space<vmem_shared>>
        tpu.wait_indirect_dma semaphore(%run_scoped3A : memref<!tpu.dma_semaphore, #tpu.memory_space<semaphore_mem>>) src(%arg10 : memref<128x128xf32, #tpu.memory_space<vmem>>) dst(%dma_wait3A_53 : memref<10240x128xf32, #tpu.memory_space<vmem_shared>>)
        tpu.yield
      }) : () -> ()
    }
    %scan3A_21 = arith.constant 79 : i32
    %barrier3A_22 = arith.constant 0 : index
    tpu.barrier barrier_id(%barrier3A_22)
    %mul3A_23 = arith.constant 640 : i32
    %mul3A_24 = arith.muli %arg1, %mul3A_23 : i32
    %mul3A_25 = arith.constant 640 : i32
    %mul3A_26 = arith.muli %arg1, %mul3A_25 : i32
    "tpu.region"() ({
      %run_scoped3A = tpu.sem_alloc : memref<!tpu.dma_semaphore, #tpu.memory_space<semaphore_mem>>
      %dma_start3A = arith.constant 0 : i32
      %dma_start3A_27 = tpu.memref_slice %arg6[%arg0, %mul3A_26, %dma_start3A] : memref<2x10240x128xf32, #tpu.memory_space<hbm>> -> memref<1x640x128xf32, #tpu.memory_space<hbm>>
      %dma_start3A_28 = tpu.memref_squeeze %dma_start3A_27 : memref<1x640x128xf32, #tpu.memory_space<hbm>> -> memref<640x128xf32, #tpu.memory_space<hbm>>
      %dma_start3A_29 = arith.constant 0 : i32
      %dma_start3A_30 = tpu.memref_slice %arg7[%mul3A_24, %dma_start3A_29] : memref<10240x128xf32, #tpu.memory_space<vmem_shared>> -> memref<640x128xf32, #tpu.memory_space<vmem_shared>>
      tpu.enqueue_dma source(%dma_start3A_30 : memref<640x128xf32, #tpu.memory_space<vmem_shared>>) target(%dma_start3A_28 : memref<640x128xf32, #tpu.memory_space<hbm>>) target_semaphore(%run_scoped3A : memref<!tpu.dma_semaphore, #tpu.memory_space<semaphore_mem>>)
      %dma_wait3A = arith.constant 0 : i32
      %dma_wait3A_31 = tpu.memref_slice %arg6[%arg0, %mul3A_26, %dma_wait3A] : memref<2x10240x128xf32, #tpu.memory_space<hbm>> -> memref<1x640x128xf32, #tpu.memory_space<hbm>>
      %dma_wait3A_32 = tpu.memref_squeeze %dma_wait3A_31 : memref<1x640x128xf32, #tpu.memory_space<hbm>> -> memref<640x128xf32, #tpu.memory_space<hbm>>
      %dma_wait3A_33 = arith.constant 0 : i32
      %dma_wait3A_34 = tpu.memref_slice %arg7[%mul3A_24, %dma_wait3A_33] : memref<10240x128xf32, #tpu.memory_space<vmem_shared>> -> memref<640x128xf32, #tpu.memory_space<vmem_shared>>
      tpu.wait_dma2 semaphore(%run_scoped3A : memref<!tpu.dma_semaphore, #tpu.memory_space<semaphore_mem>>) src(%dma_wait3A_34 : memref<640x128xf32, #tpu.memory_space<vmem_shared>>) dst(%dma_wait3A_32 : memref<640x128xf32, #tpu.memory_space<hbm>>)
      tpu.yield
    }) : () -> ()
    return
  }
}

module attributes {stable_mosaic.version = 14 : i64} {
  func.func @_mm_body(%arg0: i32, %arg1: memref<1000x256xf32, #tpu.memory_space<vmem>>, %arg2: memref<1x1000x128xf32, #tpu.memory_space<vmem>>, %arg3: memref<1x1000x128xf32, #tpu.memory_space<vmem>>, %arg4: memref<256x256xf32, #tpu.memory_space<vmem>>, %arg5: memref<1000x256xf32, #tpu.memory_space<vmem>>) attributes {dimension_semantics = [#tpu.dimension_semantics<arbitrary>], iteration_bounds = array<i64: 10>, scalar_prefetch = 0 : i64, scratch_operands = 0 : i64, tpu.core_type = #tpu.core_type<tc>, window_params = [{transform_indices = @transform_0, window_bounds = array<i64: 1000, 256>}, {transform_indices = @transform_1, window_bounds = array<i64: 1, 1000, 128>}, {transform_indices = @transform_2, window_bounds = array<i64: 1, 1000, 128>}, {pipeline_mode = #tpu.pipeline_mode<synchronous>, transform_indices = @transform_3, window_bounds = array<i64: 256, 256>}, {transform_indices = @transform_4, window_bounds = array<i64: 1000, 256>}]} {
    %get3A = arith.constant 0 : index
    %get3A_0 = arith.constant 0 : index
    %get3A_1 = arith.constant 0 : index
    %get3A_2 = vector.load %arg2[%get3A, %get3A_0, %get3A_1] : memref<1x1000x128xf32, #tpu.memory_space<vmem>>, vector<1x1000x128xf32>
    %get3A_3 = vector.shape_cast %get3A_2 : vector<1x1000x128xf32> to vector<1000x128xf32>
    %get3A_4 = arith.constant 0 : index
    %get3A_5 = arith.constant 0 : index
    %get3A_6 = arith.constant 0 : index
    %get3A_7 = vector.load %arg3[%get3A_4, %get3A_5, %get3A_6] : memref<1x1000x128xf32, #tpu.memory_space<vmem>>, vector<1x1000x128xf32>
    %get3A_8 = vector.shape_cast %get3A_7 : vector<1x1000x128xf32> to vector<1000x128xf32>
    %concatenate3A = tpu.concatenate %get3A_3, %get3A_8 in 1 : vector<1000x128xf32>, vector<1000x128xf32> -> vector<1000x256xf32>
    %get3A_9 = arith.constant 0 : index
    %get3A_10 = arith.constant 0 : index
    %get3A_11 = vector.load %arg1[%get3A_9, %get3A_10] : memref<1000x256xf32, #tpu.memory_space<vmem>>, vector<1000x256xf32>
    %mul3A = arith.constant 1.500000e+00 : f32
    %mul3A_12 = vector.broadcast %mul3A : f32 to vector<1000x256xf32>
    %mul3A_13 = arith.mulf %mul3A_12, %get3A_11 : vector<1000x256xf32>
    %add3A = arith.addf %mul3A_13, %concatenate3A : vector<1000x256xf32>
    %get3A_14 = arith.constant 0 : index
    %get3A_15 = arith.constant 0 : index
    %get3A_16 = vector.load %arg4[%get3A_14, %get3A_15] : memref<256x256xf32, #tpu.memory_space<vmem>>, vector<256x256xf32>
    %dot_general3A = arith.constant dense<0.000000e+00> : vector<1000x256xf32>
    %dot_general3A_17 = tpu.matmul %add3A, %get3A_16, %dot_general3A {dimension_numbers = #tpu.dot_dimension_numbers<[1], [0], [0], [1], [0, 0, 1, 1], [], []>, transpose_lhs_hint = false} : vector<1000x256xf32>, vector<256x256xf32>, vector<1000x256xf32> -> vector<1000x256xf32>
    %swap3A = arith.constant 0 : index
    %swap3A_18 = arith.constant 0 : index
    %swap3A_19 = vector.load %arg5[%swap3A, %swap3A_18] : memref<1000x256xf32, #tpu.memory_space<vmem>>, vector<1000x256xf32>
    tpu.vector_store %arg5[%swap3A, %swap3A_18], %dot_general3A_17 {strides = array<i32>} : memref<1000x256xf32, #tpu.memory_space<vmem>>, vector<1000x256xf32>,
    return
  }
  func.func @transform_0(%arg0: i32) -> (i32, i32) {
    %c0_i32 = arith.constant 0 : i32
    %c0_i32_0 = arith.constant 0 : i32
    return %arg0, %c0_i32 : i32, i32
  }
  func.func @transform_1(%arg0: i32) -> (i32, i32, i32) {
    %c0_i32 = arith.constant 0 : i32
    %c0_i32_0 = arith.constant 0 : i32
    %c0_i32_1 = arith.constant 0 : i32
    return %c0_i32, %arg0, %c0_i32_0 : i32, i32, i32
  }
  func.func @transform_2(%arg0: i32) -> (i32, i32, i32) {
    %c1_i32 = arith.constant 1 : i32
    %c0_i32 = arith.constant 0 : i32
    %c0_i32_0 = arith.constant 0 : i32
    return %c1_i32, %arg0, %c0_i32 : i32, i32, i32
  }
  func.func @transform_3(%arg0: i32) -> (i32, i32) {
    %c0_i32 = arith.constant 0 : i32
    %c0_i32_0 = arith.constant 0 : i32
    %c0_i32_1 = arith.constant 0 : i32
    return %c0_i32, %c0_i32_0 : i32, i32
  }
  func.func @transform_4(%arg0: i32) -> (i32, i32) {
    %c0_i32 = arith.constant 0 : i32
    %c0_i32_0 = arith.constant 0 : i32
    return %arg0, %c0_i32 : i32, i32
  }
}

</mosaic_0001>

<sc_bundles>
// kernel: kernel.4.cloned.1.call-start
scs
__scs_entry_jumppad:
0x0: {  	(pc) =	sbr.rel $0x88, $3  }
0x1: {  	(tag) =	ssettag $0x0;
	lr =	simm.s32 $0x1  }
0x2: {  	[smem:$0x3F9E] =	sst lr;
	_ =	strace $0xD0000000  }
0x3: {  	_ = 	snop  }
0x4: {  	_ = 	snop  }
0x5: {  	_ = 	snop  }
0x6: {  	_ = 	snop  }
0x7: {  	_ = 	snop  }
__scs_overlays_trampoline_lowered:
0x8: {  	[smem:$0x3FAD] =	sst s0  }
0x9: {  	[smem:$0x3FAE] =	sst s1  }
0xa: {  	[smem:$0x3FAF] =	sst s2  }
0xb: {  	[smem:$0x3FB0] =	sst s3  }
0xc: {  	[smem:$0x3FB1] =	sst s4  }
0xd: {  	[smem:$0x3FB2] =	sst s5  }
0xe: {  	[smem:$0x3FB3] =	sst s6  }
0xf: {  	[smem:$0x3FB4] =	sst s7  }
0x10: {  	[smem:$0x3FB5] =	sst s8  }
0x11: {  	[smem:$0x3FB6] =	sst s9;
	s0 =	simm.s32 @!p0 $0x0  }
0x12: {  	s1 =	sld [smem:$0x3F9C];
	s0 =	simm.s32 @p0 $0x1  }
0x13: {  	[smem:$0x3FB7] =	sst s0;
	s0 =	simm.s32 @!p1 $0x0  }
0x14: {  	s2 =	sld [smem:$0x3F9B];
	s0 =	simm.s32 @p1 $0x1  }
0x15: {  	[smem:$0x3FB8] =	sst s0;
	s0 =	simm.s32 @!p2 $0x0  }
0x16: {  	s3 =	sld [smem:$0x3FDB];
	s0 =	simm.s32 @p2 $0x1  }
0x17: {  	s4 =	simm.s32 $0x1BF5;
	[smem:$0x3FBA] =	sst s0  }
0x18: {  	s0 =	sld [smem:$0x3F9D];
	_ =	swait.ge [sflag:s4], $0x0  }
0x19: {  	s7 =	sld [smem:$0x3F9E]  }
0x1a: {  	s8 =	sadd.s32 $0xFFFFE003, lr  }
0x1b: {  	s9 =	sadd.s32 $0xFFFFFEF7, lr;
	s5 =	simm.s32 $0xFFFFFFFF;
	p2 =	slt.u32 s8, $0xFFFFF086  }
0x1c: {  	p1 =	slt.u32 s9, $0xF7A;
	s5 =	simm.s32 @!p2 $0x0  }
0x1d: {  	s5 =	simm.s32 @p1 $0x1;
	p0 =	seq.s32 s7, s2  }
0x1e: {  	s7 =	smul.u32 @!p0 $0xF7A, s2;
	p2 =	seq.s32 @!p0 s5, $0x0  }
0x1f: {  	s9 =	smul.u32 $0xF7A, s1;
	s8 =	simm.s32 @!p0 $0x1BF5;
	p2 =	por !p2, p0  }
0x20: {  	[sflag:s8] =	ssyncset.s32 @!p0 $0xFFFFF086;
	s6 =	sadd.s32 @!p0 s3, s7;
	s7 =	simm.s32 @!p0 $0x108  }
0x21: {  	s3 =	sadd.s32 s3, s9;
	s6 =	sadd.s32 @!p0 $0x88, s6;
	s7 =	simm.s32 @p2 $0x1082  }
0x22: {  	[simem:s7], [sflag:s8] =	dma.local @!p0 [hbm:s6], $0xF7A  }
0x23: {  	s9 =	sor.u32 $0xD0000000, s2;
	s6 =	simm.s32 $0x108;
	_ =	swait.ge @!p0 [sflag:s8], $0x0  }
0x24: {  	s3 =	sadd.s32 $0x88, s3;
	s6 =	simm.s32 @!p1 $0x1082;
	[sflag:s4] =	ssyncset.s32 $0xFFFFF086  }
0x25: {  	[simem:s6], [sflag:s4] =	dma.local [hbm:s3], $0xF7A  }
0x26: {  	[smem:$0x3F9E] =	sst s1;
	(tag) =	ssettag s2;
	_ =	strace s9  }
0x27: {  	s1 =	sld [smem:$0x3FAE]  }
0x28: {  	s2 =	sld [smem:$0x3FAF]  }
0x29: {  	s4 =	sld [smem:$0x3FB1]  }
0x2a: {  	p0 =	seq.s32 s5, $0x0;
	s5 =	sld [smem:$0x3FB2]  }
0x2b: {  	s6 =	sld [smem:$0x3FB3]  }
0x2c: {  	s7 =	sld [smem:$0x3FB4]  }
0x2d: {  	s3 =	simm.s32 $0x108;
	s8 =	sld [smem:$0x3FB5]  }
0x2e: {  	s3 =	simm.s32 @!p0 $0x1082;
	s9 =	sld [smem:$0x3FB6]  }
0x2f: {  	lr =	sadd.s32 s0, s3;
	s0 =	sld [smem:$0x3FAD]  }
0x30: {  	s3 =	sld [smem:$0x3FB0]  }
0x31: {  	[smem:$0x3FB9] =	sst s10  }
0x32: {  	s10 =	sld [smem:$0x3FB7];
	_ =	sdelay $0x3  }
0x33: {  	p0 =	seq.s32 s10, $0x1;
	s10 =	sld [smem:$0x3FB9];
	_ =	sdelay $0x3  }
0x34: {  	[smem:$0x3FB9] =	sst s10  }
0x35: {  	s10 =	sld [smem:$0x3FB8];
	_ =	sdelay $0x3  }
0x36: {  	p1 =	seq.s32 s10, $0x1;
	s10 =	sld [smem:$0x3FB9];
	_ =	sdelay $0x3  }
0x37: {  	[smem:$0x3FB9] =	sst s10  }
0x38: {  	s10 =	sld [smem:$0x3FBA]  }
0x39: {  	_ = 	snop;
	(pc) =	sbr.ind lr, $3  }
0x3a: {  	_ = 	snop  }
0x3b: {  	_ = 	snop  }
0x3c: {  	p2 =	seq.s32 s10, $0x1;
	s10 =	sld [smem:$0x3FB9]  }
0x3d: {  	_ =	shalt  }
0x3e: {  	_ =	shalt  }
0x3f: {  	_ =	shalt  }
0x40: {  	_ =	shalt  }
0x41: {  	_ =	shalt  }
0x42: {  	_ =	shalt  }
0x43: {  	_ =	shalt  }
0x44: {  	_ =	shalt  }
0x45: {  	_ =	shalt  }
0x46: {  	_ =	shalt  }
0x47: {  	_ =	shalt  }
0x48: {  	_ =	shalt  }
0x49: {  	_ =	shalt  }
0x4a: {  	_ =	shalt  }
0x4b: {  	_ =	shalt  }
0x4c: {  	_ =	shalt  }
0x4d: {  	_ =	shalt  }
0x4e: {  	_ =	shalt  }
0x4f: {  	_ =	shalt  }
0x50: {  	_ =	shalt  }
0x51: {  	_ =	shalt  }
0x52: {  	_ =	shalt  }
0x53: {  	_ =	shalt  }
0x54: {  	_ =	shalt  }
0x55: {  	_ =	shalt  }
0x56: {  	_ =	shalt  }
0x57: {  	_ =	shalt  }
0x58: {  	_ =	shalt  }
0x59: {  	_ =	shalt  }
0x5a: {  	_ =	shalt  }
0x5b: {  	_ =	shalt  }
0x5c: {  	_ =	shalt  }
0x5d: {  	_ =	shalt  }
0x5e: {  	_ =	shalt  }
0x5f: {  	_ =	shalt  }
0x60: {  	_ =	shalt  }
0x61: {  	_ =	shalt  }
0x62: {  	_ =	shalt  }
0x63: {  	_ =	shalt  }
0x64: {  	_ =	shalt  }
0x65: {  	_ =	shalt  }
0x66: {  	_ =	shalt  }
0x67: {  	_ =	shalt  }
0x68: {  	_ =	shalt  }
0x69: {  	_ =	shalt  }
0x6a: {  	_ =	shalt  }
0x6b: {  	_ =	shalt  }
0x6c: {  	_ =	shalt  }
0x6d: {  	_ =	shalt  }
0x6e: {  	_ =	shalt  }
0x6f: {  	_ =	shalt  }
0x70: {  	_ =	shalt  }
0x71: {  	_ =	shalt  }
0x72: {  	_ =	shalt  }
0x73: {  	_ =	shalt  }
0x74: {  	_ =	shalt  }
0x75: {  	_ =	shalt  }
0x76: {  	_ =	shalt  }
0x77: {  	_ =	shalt  }
0x78: {  	_ =	shalt  }
0x79: {  	_ =	shalt  }
0x7a: {  	_ =	shalt  }
0x7b: {  	_ =	shalt  }
0x7c: {  	_ =	shalt  }
0x7d: {  	_ =	shalt  }
0x7e: {  	_ =	shalt  }
0x7f: {  	_ =	shalt  }
0x80: {  	_ =	shalt  }
0x81: {  	_ =	shalt  }
0x82: {  	_ =	shalt  }
0x83: {  	_ =	shalt  }
0x84: {  	_ =	shalt  }
0x85: {  	_ =	shalt  }
0x86: {  	_ =	shalt  }
0x87: {  	_ =	shalt  }
.Lfunc_end0:
.L_simem_size_0:
called_computation_lowered:
.L_overlay_start_0:
0x88: {  	s2 =	sld [smem:$0x3FD9]  }
0x89: {  	s3 =	sld [smem:$0x3FFE];
	_ =	sdelay $0x1  }
0x8a: {  	s1 =	srdreg.scid  }
0x8b: {  	s0 =	sand.u32 $0x1, s1  }
0x8c: {  	s17 =	sshll.u32 s0, $0xA;
	s2 =	sadd.s32 s3, s2  }
0x8d: {  	s2 =	sadd.s32 s2, s17  }
0x8e: {  	[smem:$0x3FC5] =	sst s2  }
0x8f: {  	_ = 	snop  }
0x90: {  	s2 =	sld [smem:$0x3FC9]  }
0x91: {  	s18 =	sld [smem:$0x3FD0];
	(tm) =	ssettm $0x1  }
0x92: {  	s4 =	sld [smem:$0x3FFB];
	_ =	sdelay $0x3  }
0x93: {  	_ =	strace s4  }
0x94: {  	s4 =	sld [smem:$0x3FFC];
	_ =	sdelay $0x3  }
0x95: {  	_ =	strace s4  }
0x96: {  	s4 =	sld [smem:$0x3FFD];
	_ =	sdelay $0x3  }
0x97: {  	_ =	strace s4  }
0x98: {  	_ =	strace $0x8FFFFFFF  }
0x99: {  	s19 =	sld [smem:$0x3FDB];
	_ =	sdelay $0x1  }
0x9a: {  	s5 =	simm.s32 $_scs_section_size  }
0x9b: {  	s6 =	simm.s32 $_size__tile_overlayer_lowered;
	s7 =	simm.s32 $_tile_overlayer_lowered  }
0x9c: {  	s22 =	simm.s32 $0x1BFF;
	s21 =	sshll.u32 s7, $0x1;
	s4 =	sadd.s32 s5, s19  }
0x9d: {  	s8 =	simm.s32 $0x0;
	s20 =	sshll.u32 s6, $0x1;
	s6 =	sadd.s32 s21, s4  }
0x9e: {  	[timem:s8], [sflag:s22] =	dma.local [hbm:s6], s20  }
0x9f: {  	_ =	swait.ge [sflag:s22], s20  }
0xa0: {  	s5 =	ssub.s32 $0x0, s20;
	[sflag:s22] =	ssyncset.done $0x0  }
0xa1: {  	[sflag:s22] =	ssyncadd.s32 s5;
	_ =	sdelay $0x1  }
0xa2: {  	s23 =	simm.s32 $0x1B8B  }
0xa3: {  	_ =	swait.ge [sflag:s23], $0x1  }
0xa4: {  	[sflag:s23] =	ssyncset.done $0x0  }
0xa5: {  	s25 =	simm.s32 $0x1B8E;
	s24 =	sld [smem:$0x3FFE];
	[sflag:s23] =	ssyncadd.s32 $0xFFFFFFFF  }
0xa6: {  	s26 =	simm.s32 $execute0_lowered;
	[smem:$0x3FD2] =	sst s25  }
0xa7: {  	s6 =	sshll.u32 s26, $0x1;
	_ =	strace $0x80000046;
	[dreg:$0x1] =	wrdreg $0xFFFFFFFF  }
0xa8: {  	s28 =	simm.s32 $_size_execute0_lowered;
	s4 =	sadd.s32 s4, s6;
	[dreg:$0x0] =	wrdreg $0x0  }
0xa9: {  	s6 =	sshll.u32 s28, $0x1;
	[dreg:$0x2] =	wrdreg s4  }
0xaa: {  	[dreg:$0x3] =	wrdreg s6  }
0xab: {  	[dreg:$0x4] =	wrdreg $0xC0  }
0xac: {  	_ =	task [dreg:s8], $0x5FFFF  }
0xad: {  	[dreg:$0x1] =	wrdreg $0xFFFFFFFF  }
0xae: {  	[dreg:$0x0] =	wrdreg $0x60  }
0xaf: {  	[dreg:$0x2] =	wrdreg s2  }
0xb0: {  	[dreg:$0x3] =	wrdreg s18  }
0xb1: {  	[dreg:$0x4] =	wrdreg s24  }
0xb2: {  	[dreg:$0x5] =	wrdreg $0x0  }
0xb3: {  	[dreg:$0x6] =	wrdreg $0x9  }
0xb4: {  	_ =	task.clear_ibuf [dreg:s8], $0x7FFFF;
	_ =	strace $0x90000046  }
0xb5: {  	s29 =	simm.s32 $0x9;
	_ =	strace $0x80000048  }
0xb6: {  	_ =	swait.ge [sflag:s29], $0x1  }
0xb7: {  	[sflag:s29] =	ssyncadd.s32 $0xFFFFFFFF  }
0xb8: {  	_ =	strace $0x90000048  }
0xb9: {  	_ =	sfence  }
0xba: {  	s30 =	sld [smem:$0x0];
	_ =	sdelay $0x2  }
0xbb: {  	s31 =	sshll.u32 s1, $0xD;
	s1 =	sshrl.u32 s1, $0x2  }
0xbc: {  	s3 =	sand.u32 $0x4000, s31;
	s1 =	sadd.s32 s1, s30  }
0xbd: {  	s0 =	sor.u32 s3, s0;
	s1 =	sshll.u32 s1, $0x11  }
0xbe: {  	s0 =	sor.u32 s1, s0  }
0xbf: {  	s0 =	sadd.s32 $0x8F2B, s0  }
0xc0: {  	[sflag:s0] =	ssyncadd.remote.s32 $0x1  }
0xc1: {  	_ =	sfence.sel $0xFFFF  }
0xc2: {  	[dreg:$0x0] =	wrdreg $0xFFFFFFFF;
	(pc) =	sbr.abs _section_cstart, $3  }
0xc3: {  	[dreg:$0x1] =	wrdreg $0xFFFFFFFF  }
0xc4: {  	_ =	task.clear_ibuf [dreg:s8], $0x2FFFF;
	_ =	strace $0x9FFFFFFF  }
0xc5: {  	(tm) =	ssettm $0x7FFFFFFF  }
tec
execute0_lowered:
.L_overlay_start_1:
0x0: {  	(tag) =	ssettag $0x1  }
0x1: {  	s0 =	rddreg [dreg:$0x0]  }
0x2: {  	s3 =	rddreg [dreg:$0x1]  }
0x3: {  	s4 =	rddreg [dreg:$0x2]  }
0x4: {  	s1 =	rddreg [dreg:$0x3];
	s2 =	simm.s32 $0x0  }
0x5: {  	s5 =	simm.s32 $0x19080;
	[smem:$0x7FF] =	sst s2  }
0x6: {  	s26 =	simm.s32 $0x19100;
	_ =	strace $0x80000047;
	[dreg:$0x5] =	wrdreg s5  }
0x7: {  	s6 =	simm.s32 $0x19180;
	[dreg:$0x6] =	wrdreg s26  }
0x8: {  	s7 =	simm.s32 $0x19200;
	[dreg:$0x7] =	wrdreg s6  }
0x9: {  	s8 =	simm.s32 $0x19280;
	[dreg:$0x8] =	wrdreg s7  }
0xa: {  	s9 =	simm.s32 $0x19300;
	[dreg:$0x9] =	wrdreg s8  }
0xb: {  	s10 =	simm.s32 $0x19380;
	[dreg:$0xa] =	wrdreg s9  }
0xc: {  	s11 =	simm.s32 $0x19400;
	[dreg:$0xb] =	wrdreg s10  }
0xd: {  	s12 =	simm.s32 $0x19480;
	[dreg:$0xc] =	wrdreg s11  }
0xe: {  	s13 =	simm.s32 $0x19500;
	[dreg:$0xd] =	wrdreg s12  }
0xf: {  	s14 =	simm.s32 $0x19580;
	[dreg:$0xe] =	wrdreg s13  }
0x10: {  	s15 =	simm.s32 $0x19600;
	[dreg:$0xf] =	wrdreg s14  }
0x11: {  	s16 =	simm.s32 $0x19680;
	[dreg:$0x10] =	wrdreg s15  }
0x12: {  	s17 =	simm.s32 $0x19700;
	[dreg:$0x11] =	wrdreg s16  }
0x13: {  	s18 =	simm.s32 $0x19780;
	[dreg:$0x12] =	wrdreg s17  }
0x14: {  	s19 =	simm.s32 $0x19800;
	[dreg:$0x13] =	wrdreg s18  }
0x15: {  	s20 =	simm.s32 $0x19880;
	[dreg:$0x14] =	wrdreg s19  }
0x16: {  	s21 =	simm.s32 $0x19900;
	[dreg:$0x15] =	wrdreg s20  }
0x17: {  	s22 =	simm.s32 $0x19980;
	[dreg:$0x16] =	wrdreg s21  }
0x18: {  	s23 =	simm.s32 $0x19A00;
	[dreg:$0x17] =	wrdreg s22  }
0x19: {  	s24 =	simm.s32 $0x19A80;
	[dreg:$0x18] =	wrdreg s23  }
0x1a: {  	s25 =	simm.s32 $0x19B00;
	[dreg:$0x19] =	wrdreg s24  }
0x1b: {  	[dreg:$0x1a] =	wrdreg s25;
	s26 =	simm.s32 $0x19B80  }
0x1c: {  	s6 =	simm.s32 $0x19C00;
	[dreg:$0x1b] =	wrdreg s26  }
0x1d: {  	s7 =	simm.s32 $0x19C80;
	[dreg:$0x1c] =	wrdreg s6  }
0x1e: {  	s8 =	simm.s32 $0x19D00;
	[dreg:$0x1d] =	wrdreg s7  }
0x1f: {  	s9 =	simm.s32 $0x19D80;
	[dreg:$0x1e] =	wrdreg s8  }
0x20: {  	s10 =	simm.s32 $0x19E00;
	[dreg:$0x1f] =	wrdreg s9  }
0x21: {  	s11 =	simm.s32 $0x19E80;
	[smem:$0x7A4] =	sst s10  }
0x22: {  	s12 =	simm.s32 $0x19F00;
	[smem:$0x7A5] =	sst s11  }
0x23: {  	s13 =	simm.s32 $0x19F80;
	[smem:$0x7A6] =	sst s12  }
0x24: {  	s14 =	simm.s32 $0x1A000;
	[smem:$0x7A7] =	sst s13  }
0x25: {  	s15 =	simm.s32 $0x1A080;
	[smem:$0x7A8] =	sst s14  }
0x26: {  	s16 =	simm.s32 $0x1A100;
	[smem:$0x7A9] =	sst s15  }
0x27: {  	s17 =	simm.s32 $0x1A180;
	[smem:$0x7AA] =	sst s16  }
0x28: {  	s18 =	simm.s32 $0x1A200;
	[smem:$0x7AB] =	sst s17  }
0x29: {  	s19 =	simm.s32 $0x1A280;
	[smem:$0x7AC] =	sst s18  }
0x2a: {  	s20 =	simm.s32 $0x1A300;
	[smem:$0x7AD] =	sst s19  }
0x2b: {  	s21 =	simm.s32 $0x1A380;
	[smem:$0x7AE] =	sst s20  }
0x2c: {  	s22 =	simm.s32 $0x1A400;
	[smem:$0x7AF] =	sst s21  }
0x2d: {  	s23 =	simm.s32 $0x1A480;
	[smem:$0x7B0] =	sst s22  }
0x2e: {  	s24 =	simm.s32 $0x1A500;
	[smem:$0x7B1] =	sst s23  }
0x2f: {  	s25 =	simm.s32 $0x1A580;
	[smem:$0x7B2] =	sst s24  }
0x30: {  	[smem:$0x7B3] =	sst s25;
	s26 =	simm.s32 $0x1A600  }
0x31: {  	s6 =	simm.s32 $0x1A680;
	[smem:$0x7B4] =	sst s26  }
0x32: {  	s7 =	simm.s32 $0x1A700;
	[smem:$0x7B5] =	sst s6  }
0x33: {  	s8 =	simm.s32 $0x1A780;
	[smem:$0x7B6] =	sst s7  }
0x34: {  	s9 =	simm.s32 $0x1A800;
	[smem:$0x7B7] =	sst s8  }
0x35: {  	s10 =	simm.s32 $0x1A880;
	[smem:$0x7B8] =	sst s9  }
0x36: {  	s11 =	simm.s32 $0x1A900;
	[smem:$0x7B9] =	sst s10  }
0x37: {  	s12 =	simm.s32 $0x1A980;
	[smem:$0x7BA] =	sst s11  }
0x38: {  	s13 =	simm.s32 $0x1AA00;
	[smem:$0x7BB] =	sst s12  }
0x39: {  	s14 =	simm.s32 $0x1AA80;
	[smem:$0x7BC] =	sst s13  }
0x3a: {  	s15 =	simm.s32 $0x1AB00;
	[smem:$0x7BD] =	sst s14  }
0x3b: {  	s16 =	simm.s32 $0x1AB80;
	[smem:$0x7BE] =	sst s15  }
0x3c: {  	s17 =	simm.s32 $0x1AC00;
	[smem:$0x7BF] =	sst s16  }
0x3d: {  	s18 =	simm.s32 $0x1AC80;
	[smem:$0x7C0] =	sst s17  }
0x3e: {  	s19 =	simm.s32 $0x1AD00;
	[smem:$0x7C1] =	sst s18  }
0x3f: {  	s20 =	simm.s32 $0x1AD80;
	[smem:$0x7C2] =	sst s19  }
0x40: {  	s21 =	simm.s32 $0x1AE00;
	[smem:$0x7C3] =	sst s20  }
0x41: {  	s22 =	simm.s32 $0x1AE80;
	[smem:$0x7C4] =	sst s21  }
0x42: {  	s23 =	simm.s32 $0x1AF00;
	[smem:$0x7C5] =	sst s22  }
0x43: {  	s24 =	simm.s32 $0x1AF80;
	[smem:$0x7C6] =	sst s23  }
0x44: {  	s25 =	simm.s32 $0x1B000;
	[smem:$0x7C7] =	sst s24  }
0x45: {  	[smem:$0x7C8] =	sst s25;
	s26 =	simm.s32 $0x1B080  }
0x46: {  	s6 =	simm.s32 $0x1B100;
	[smem:$0x7C9] =	sst s26  }
0x47: {  	s7 =	simm.s32 $0x1B180;
	[smem:$0x7CA] =	sst s6  }
0x48: {  	s8 =	simm.s32 $0x1B200;
	[smem:$0x7CB] =	sst s7  }
0x49: {  	s9 =	simm.s32 $0x1B280;
	[smem:$0x7CC] =	sst s8  }
0x4a: {  	s10 =	simm.s32 $0x1B300;
	[smem:$0x7CD] =	sst s9  }
0x4b: {  	s11 =	simm.s32 $0x1B380;
	[smem:$0x7CE] =	sst s10  }
0x4c: {  	s12 =	simm.s32 $0x1B400;
	[smem:$0x7CF] =	sst s11  }
0x4d: {  	s13 =	simm.s32 $0x1B480;
	[smem:$0x7D0] =	sst s12  }
0x4e: {  	s14 =	simm.s32 $0x1B500;
	[smem:$0x7D1] =	sst s13  }
0x4f: {  	s15 =	simm.s32 $0x1B580;
	[smem:$0x7D2] =	sst s14  }
0x50: {  	s16 =	simm.s32 $0x1B600;
	[smem:$0x7D3] =	sst s15  }
0x51: {  	s17 =	simm.s32 $0x1B680;
	[smem:$0x7D4] =	sst s16  }
0x52: {  	s18 =	simm.s32 $0x1B700;
	[smem:$0x7D5] =	sst s17  }
0x53: {  	s19 =	simm.s32 $0x1B780;
	[smem:$0x7D6] =	sst s18  }
0x54: {  	s20 =	simm.s32 $0x1B800;
	[smem:$0x7D7] =	sst s19  }
0x55: {  	s21 =	simm.s32 $0x1B880;
	[smem:$0x7D8] =	sst s20  }
0x56: {  	s22 =	simm.s32 $0x1B900;
	[smem:$0x7D9] =	sst s21  }
0x57: {  	s23 =	simm.s32 $0x1B980;
	[smem:$0x7DA] =	sst s22  }
0x58: {  	s24 =	simm.s32 $0x1BA00;
	[smem:$0x7DC] =	sst s23  }
0x59: {  	s25 =	simm.s32 $0x1BA80;
	[smem:$0x7DD] =	sst s24  }
0x5a: {  	s12 =	sadd.s32 $0x5C00, s4;
	[smem:$0x7DE] =	sst s25  }
0x5b: {  	s28 =	simm.s32 $0x1CA00;
	s26 =	simm.s32 $0x1BB00;
	[smem:$0x7DB] =	sst s12  }
0x5c: {  	s29 =	simm.s32 $0x1CA80;
	s14 =	simm.s32 $0x1BC80;
	[smem:$0x7DF] =	sst s26  }
0x5d: {  	s30 =	simm.s32 $0x1CB00;
	s15 =	simm.s32 $0x1BD00;
	[smem:$0x7E2] =	sst s14  }
0x5e: {  	s31 =	simm.s32 $0x1CB80;
	s16 =	simm.s32 $0x1BD80;
	[smem:$0x7E3] =	sst s15  }
0x5f: {  	s11 =	stileid.u32;
	s18 =	simm.s32 $0x1BE00;
	[smem:$0x7E4] =	sst s16  }
0x60: {  	s8 =	srdreg.scid;
	s19 =	simm.s32 $0x1BE80;
	[smem:$0x7E5] =	sst s18  }
0x61: {  	s21 =	simm.s32 $0x1BF00;
	s23 =	simm.s32 $0x1BF80;
	[smem:$0x7E7] =	sst s19  }
0x62: {  	s25 =	simm.s32 $0x1C000;
	s6 =	smul.u32 $0x500, s11;
	[smem:$0x7E9] =	sst s21  }
0x63: {  	s8 =	sand.u32 $0x1, s8;
	s10 =	smul.u32 $0x14000, s11;
	[smem:$0x7EB] =	sst s23  }
0x64: {  	s12 =	simm.s32 $0x1BC00;
	s11 =	smul.u32 $0x50000, s11;
	[smem:$0x7ED] =	sst s25  }
0x65: {  	s15 =	simm.s32 $0x1C180;
	s18 =	simm.s32 $0x1C280;
	[smem:$0x7E1] =	sst s12  }
0x66: {  	s23 =	simm.s32 $0x1C400;
	s25 =	simm.s32 $0x1C500;
	[smem:$0x7F2] =	sst s15  }
0x67: {  	s9 =	smul.u32 $0x140000, s8;
	s12 =	simm.s32 $0x1C100;
	[smem:$0x7F5] =	sst s18  }
0x68: {  	s16 =	sshll.u32 s8, $0x7;
	s15 =	simm.s32 $0x19000;
	[smem:$0x7F9] =	sst s23  }
0x69: {  	[smem:$0x7FB] =	sst s25;
	s23 =	simm.s32 $0x1C800;
	s25 =	simm.s32 $0x1C900  }
0x6a: {  	s18 =	simm.s32 $0x1CD80;
	s7 =	sadd.s32 s6, s4;
	s17 =	sshrl.u32 s11, $0x2  }
0x6b: {  	s11 =	simm.s32 $0x1C080;
	s3 =	sadd.s32 s3, s6;
	[smem:$0x7F1] =	sst s12  }
0x6c: {  	s9 =	sadd.s32 s10, s9;
	s10 =	ssub.s32 $0x2, s8;
	[smem:$0x7EE] =	sst s3  }
0x6d: {  	[smem:$0x7EF] =	sst s11;
	s14 =	sadd.s32 $0xC00, s7;
	s9 =	sshrl.u32 s9, $0x3  }
0x6e: {  	[smem:$0x7F0] =	sst s14;
	s4 =	sadd.s32 s9, s4;
	s9 =	simm.s32 $0x1BB80  }
0x6f: {  	s12 =	sadd.s32 s0, s16;
	s13 =	sshrl.u32 s10, $0x1;
	[smem:$0x7E0] =	sst s9  }
0x70: {  	s9 =	ssub.s32 s10, s13;
	s13 =	sadd.s32 s17, s1;
	s17 =	simm.s32 $0x1C200  }
0x71: {  	s16 =	simm.s32 $0x2;
	s19 =	sadd.s32 $0x6400, s4;
	[smem:$0x7F3] =	sst s17  }
0x72: {  	s0 =	simm.s32 $0x1CC00;
	s6 =	simm.s32 $0x1CE80;
	[smem:$0x7F4] =	sst s19  }
0x73: {  	s3 =	simm.s32 $0x1CC80;
	s20 =	sadd.s32 $0x4000, s13;
	[smem:$0x7FD] =	sst s13  }
0x74: {  	s7 =	simm.s32 $0x1CF00;
	s22 =	sadd.s32 $0x8000, s13;
	[smem:$0x7E6] =	sst s20  }
0x75: {  	s8 =	simm.s32 $0x1CF80;
	s24 =	sadd.s32 $0xC000, s13;
	[smem:$0x7E8] =	sst s22  }
0x76: {  	s11 =	simm.s32 $0x0;
	s26 =	sadd.s32 $0x10000, s13;
	[smem:$0x7EA] =	sst s24  }
0x77: {  	v0 =	vimm.s32 $0x7;
	s4 =	simm.s32 $0x1CE00;
	s21 =	smax.u32 s9, $0x1;
	[smem:$0x7EC] =	sst s26  }
0x78: {  	v1 =	vimm.s32 $0x1;
	v2 =	vimm.s32 $0x0;
	v3 =	vlaneseq.u32;
	s10 =	simm.s32 $0x80;
	s20 =	simm.s32 $0x1C300;
	[smem:$0x7F6] =	sst s21  }
0x79: {  	vm0 =	vmmov $0x1;
	v4 =	vimm.s32 $0x2;
	v5 =	vimm.s32 $0x3;
	s19 =	simm.s32 $0x1C600;
	s22 =	simm.s32 $0x1C380;
	[smem:$0x7F7] =	sst s20  }
0x7a: {  	v6 =	vimm.s32 $0x4;
	v7 =	vimm.s32 $0x5;
	v8 =	vimm.s32 $0x6;
	s17 =	simm.s32 $0x1CD00;
	s24 =	simm.s32 $0x1C480;
	[smem:$0x7F8] =	sst s22  }
0x7b: {  	v9 =	vimm.s32 $0x8;
	v10 =	vimm.s32 $0x9;
	v11 =	vimm.s32 $0xA;
	s9 =	simm.s32 $0x1;
	s26 =	simm.s32 $0x1C580;
	[smem:$0x7FA] =	sst s24  }
0x7c: {  	v12 =	vimm.s32 $0xB;
	v13 =	vimm.s32 $0xC;
	v14 =	vimm.s32 $0xD;
	s21 =	simm.s32 $0x1C700;
	[smem:$0x7FC] =	sst s26;
	s20 =	simm.s32 $0x1C680  }
0x7d: {  	v15 =	vimm.s32 $0xE;
	v16 =	vimm.s32 $0xF;
	v3 =	vmul.u32 $0x8, v3;
	s22 =	simm.s32 $0x1C780;
	s24 =	simm.s32 $0x1C880;
	s26 =	simm.s32 $0x1C980  }
.LBB2_1:
0x7e: {  	s5 =	sld [smem:$0x7DB];
	_ =	sdelay $0x1  }
0x7f: {  	[smem:$0x7A3] =	sst s11  }
0x80: {  	[tilespmem:s15], [sflag:$0x2] =	stream.linear.gather [hbm4b:s5+s2], $0x4000, $0x38;
	[tilespmem:$0x1D000] =	vst v63  }
0x81: {  	_ =	swait.ge [sflag:s16], $0x4000  }
0x82: {  	[sflag:s16] =	ssyncset.done $0x0  }
0x83: {  	[sflag:s16] =	ssyncadd.s32 $0xFFFFC000  }
0x84: {  	[spmem:s13] =	stream.linear.scatter [tilespmem:s15], [sflag:$0x2], $0x4000, $0x38;
	[tilespmem:$0x1D000] =	vst v63  }
0x85: {  	_ =	swait.ge [sflag:s16], $0x4000  }
0x86: {  	s11 =	sld [smem:$0x7E6]  }
0x87: {  	[sflag:s16] =	ssyncset.done $0x0  }
0x88: {  	[sflag:s16] =	ssyncadd.s32 $0xFFFFC000  }
0x89: {  	[spmem:s11] =	stream.linear.scatter [tilespmem:s15], [sflag:$0x2], $0x4000, $0x38;
	[tilespmem:$0x1D000] =	vst v63  }
0x8a: {  	_ =	swait.ge [sflag:s16], $0x4000  }
0x8b: {  	s13 =	sld [smem:$0x7E8]  }
0x8c: {  	[sflag:s16] =	ssyncset.done $0x0  }
0x8d: {  	[sflag:s16] =	ssyncadd.s32 $0xFFFFC000  }
0x8e: {  	[spmem:s13] =	stream.linear.scatter [tilespmem:s15], [sflag:$0x2], $0x4000, $0x38;
	[tilespmem:$0x1D000] =	vst v63  }
0x8f: {  	_ =	swait.ge [sflag:s16], $0x4000  }
0x90: {  	s14 =	sld [smem:$0x7EA]  }
0x91: {  	[sflag:s16] =	ssyncset.done $0x0  }
0x92: {  	[sflag:s16] =	ssyncadd.s32 $0xFFFFC000  }
0x93: {  	[spmem:s14] =	stream.linear.scatter [tilespmem:s15], [sflag:$0x2], $0x4000, $0x38;
	[tilespmem:$0x1D000] =	vst v63  }
0x94: {  	_ =	swait.ge [sflag:s16], $0x4000  }
0x95: {  	s11 =	sld [smem:$0x7EC]  }
0x96: {  	[sflag:s16] =	ssyncset.done $0x0  }
0x97: {  	[sflag:s16] =	ssyncadd.s32 $0xFFFFC000  }
0x98: {  	[spmem:s11] =	stream.linear.scatter [tilespmem:s15], [sflag:$0x2], $0x4000, $0x38;
	[tilespmem:$0x1D000] =	vst v63  }
0x99: {  	_ =	swait.ge [sflag:s16], $0x4000  }
0x9a: {  	[sflag:s16] =	ssyncset.done $0x0  }
0x9b: {  	[sflag:s16] =	ssyncadd.s32 $0xFFFFC000  }
0x9c: {  	[bflag:$0x0] =	sbarrier.arrive $0xFFFF  }
0x9d: {  	s13 =	sld [smem:$0x7EE];
	_ =	sdelay $0x1  }
0x9e: {  	s14 =	simm.s32 $0x14000  }
0x9f: {  	[tilespmem:s14], [sflag:$0x2] =	stream.linear.gather [hbm4b:s13+s2], $0x2780, $0x38;
	[tilespmem:$0x1D000] =	vst v63  }
0xa0: {  	_ =	swait.ge [sflag:s16], $0x2780  }
0xa1: {  	s13 =	sld [smem:$0x7F0]  }
0xa2: {  	[sflag:s16] =	ssyncset.done $0x0  }
0xa3: {  	s14 =	simm.s32 $0x16800;
	[sflag:s16] =	ssyncadd.s32 $0xFFFFD880  }
0xa4: {  	[tilespmem:s14], [sflag:$0x2] =	stream.linear.gather [hbm4b:s13+s2], $0x2780, $0x38;
	[tilespmem:$0x1D000] =	vst v63  }
0xa5: {  	_ =	swait.ge [sflag:s16], $0x2780  }
0xa6: {  	[sflag:s16] =	ssyncset.done $0x0  }
0xa7: {  	s13 =	simm.s32 $0x0;
	[sflag:s16] =	ssyncadd.s32 $0xFFFFD880  }
.LBB2_2:
0xa8: {  	s14 =	sshra.s32 s13, $0x2  }
0xa9: {  	v17 =	vld [tilespmem:s14+$0x14000];
	_ =	sdelay $0x4  }
0xaa: {  	v18 =	vshll.u32 v17, $0x1  }
0xab: {  	v17 =	vand.u32 $0x7, v17;
	v18 =	vand.u32 $0xFFFFFFF0, v18  }
0xac: {  	v17 =	vor.u32 v17, v18  }
0xad: {  	v18 =	vperm.xlane v17, v2;
	_ =	sdelay $0x1  }
0xae: {  	v19 =	vperm.xlane v17, v1;
	v18 =	vadd.s32 v3, v18;
	_ =	sdelay $0x1  }
0xaf: {  	v20 =	vperm.xlane v17, v4;
	v19 =	vadd.s32 v3, v19;
	_ =	sdelay $0x1  }
0xb0: {  	v21 =	vperm.xlane v17, v5;
	v20 =	vadd.s32 v3, v20  }
0xb1: {  	[tilespmem:s15], [sflag:$0x1] =	stream.indirect_vreg.gather [hbm4b:s12+s2], $0x80, v18, vm0, $0xb8;
	[tilespmem:$0x1D000] =	vst v63  }
0xb2: {  	s5 =	rddreg [dreg:$0x5];
	v50 =	vperm.xlane v17, v6;
	v18 =	vadd.s32 v3, v21  }
0xb3: {  	[tilespmem:s5], [sflag:$0x1] =	stream.indirect_vreg.gather [hbm4b:s12+s2], $0x80, v19, vm0, $0xb8;
	[tilespmem:$0x1D000] =	vst v63  }
0xb4: {  	s11 =	rddreg [dreg:$0x6];
	v51 =	vperm.xlane v17, v7;
	v19 =	vadd.s32 v3, v50  }
0xb5: {  	[tilespmem:s11], [sflag:$0x1] =	stream.indirect_vreg.gather [hbm4b:s12+s2], $0x80, v20, vm0, $0xb8;
	[tilespmem:$0x1D000] =	vst v63  }
0xb6: {  	v53 =	vperm.xlane v17, v8;
	v52 =	vadd.s32 v3, v51;
	s5 =	rddreg [dreg:$0x7]  }
0xb7: {  	[tilespmem:s5], [sflag:$0x1] =	stream.indirect_vreg.gather [hbm4b:s12+s2], $0x80, v18, vm0, $0xb8;
	[tilespmem:$0x1D000] =	vst v63  }
0xb8: {  	v54 =	vperm.xlane v17, v0;
	s11 =	rddreg [dreg:$0x8];
	v18 =	vadd.s32 v3, v53  }
0xb9: {  	[tilespmem:s11], [sflag:$0x1] =	stream.indirect_vreg.gather [hbm4b:s12+s2], $0x80, v19, vm0, $0xb8;
	[tilespmem:$0x1D000] =	vst v63  }
0xba: {  	v55 =	vperm.xlane v17, v9;
	s5 =	rddreg [dreg:$0x9];
	v19 =	vadd.s32 v3, v54  }
0xbb: {  	[tilespmem:s5], [sflag:$0x1] =	stream.indirect_vreg.gather [hbm4b:s12+s2], $0x80, v52, vm0, $0xb8;
	[tilespmem:$0x1D000] =	vst v63  }
0xbc: {  	v57 =	vperm.xlane v17, v10;
	v56 =	vadd.s32 v3, v55;
	s11 =	rddreg [dreg:$0xa]  }
0xbd: {  	[tilespmem:s11], [sflag:$0x1] =	stream.indirect_vreg.gather [hbm4b:s12+s2], $0x80, v18, vm0, $0xb8;
	[tilespmem:$0x1D000] =	vst v63  }
0xbe: {  	v58 =	vperm.xlane v17, v11;
	s5 =	rddreg [dreg:$0xb];
	v18 =	vadd.s32 v3, v57  }
0xbf: {  	[tilespmem:s5], [sflag:$0x1] =	stream.indirect_vreg.gather [hbm4b:s12+s2], $0x80, v19, vm0, $0xb8;
	[tilespmem:$0x1D000] =	vst v63  }
0xc0: {  	v59 =	vperm.xlane v17, v12;
	s11 =	rddreg [dreg:$0xc];
	v19 =	vadd.s32 v3, v58  }
0xc1: {  	[tilespmem:s11], [sflag:$0x1] =	stream.indirect_vreg.gather [hbm4b:s12+s2], $0x80, v56, vm0, $0xb8;
	[tilespmem:$0x1D000] =	vst v63  }
0xc2: {  	v61 =	vperm.xlane v17, v13;
	v60 =	vadd.s32 v3, v59;
	s5 =	rddreg [dreg:$0xd]  }
0xc3: {  	[tilespmem:s5], [sflag:$0x1] =	stream.indirect_vreg.gather [hbm4b:s12+s2], $0x80, v18, vm0, $0xb8;
	[tilespmem:$0x1D000] =	vst v63  }
0xc4: {  	v62 =	vperm.xlane v17, v14;
	s11 =	rddreg [dreg:$0xe];
	v18 =	vadd.s32 v3, v61  }
0xc5: {  	[tilespmem:s11], [sflag:$0x1] =	stream.indirect_vreg.gather [hbm4b:s12+s2], $0x80, v19, vm0, $0xb8;
	[tilespmem:$0x1D000] =	vst v63  }
0xc6: {  	v63 =	vperm.xlane v17, v15;
	s5 =	rddreg [dreg:$0xf];
	v19 =	vadd.s32 v3, v62  }
0xc7: {  	[tilespmem:s5], [sflag:$0x1] =	stream.indirect_vreg.gather [hbm4b:s12+s2], $0x80, v60, vm0, $0xb8;
	[tilespmem:$0x1D000] =	vst v63  }
0xc8: {  	v17 =	vperm.xlane v17, v16;
	v24 =	vadd.s32 v3, v63;
	s11 =	rddreg [dreg:$0x10]  }
0xc9: {  	[tilespmem:s11], [sflag:$0x1] =	stream.indirect_vreg.gather [hbm4b:s12+s2], $0x80, v18, vm0, $0xb8;
	[tilespmem:$0x1D000] =	vst v63  }
0xca: {  	v17 =	vadd.s32 v3, v17;
	s5 =	rddreg [dreg:$0x11]  }
0xcb: {  	[tilespmem:s5], [sflag:$0x1] =	stream.indirect_vreg.gather [hbm4b:s12+s2], $0x80, v19, vm0, $0xb8;
	[tilespmem:$0x1D000] =	vst v63  }
0xcc: {  	s11 =	rddreg [dreg:$0x12]  }
0xcd: {  	[tilespmem:s11], [sflag:$0x1] =	stream.indirect_vreg.gather [hbm4b:s12+s2], $0x80, v24, vm0, $0xb8;
	[tilespmem:$0x1D000] =	vst v63  }
0xce: {  	s5 =	rddreg [dreg:$0x13]  }
0xcf: {  	[tilespmem:s5], [sflag:$0x1] =	stream.indirect_vreg.gather [hbm4b:s12+s2], $0x80, v17, vm0, $0xb8;
	[tilespmem:$0x1D000] =	vst v63  }
0xd0: {  	v17 =	vld [tilespmem:s14+$0x14010];
	_ =	sdelay $0x4  }
0xd1: {  	v18 =	vshll.u32 v17, $0x1  }
0xd2: {  	v17 =	vand.u32 $0x7, v17;
	v18 =	vand.u32 $0xFFFFFFF0, v18  }
0xd3: {  	v17 =	vor.u32 v17, v18  }
0xd4: {  	v18 =	vperm.xlane v17, v2;
	_ =	sdelay $0x1  }
0xd5: {  	v19 =	vperm.xlane v17, v1;
	v18 =	vadd.s32 v3, v18;
	_ =	sdelay $0x1  }
0xd6: {  	v25 =	vperm.xlane v17, v4;
	v19 =	vadd.s32 v3, v19  }
0xd7: {  	s11 =	rddreg [dreg:$0x15]  }
0xd8: {  	s5 =	rddreg [dreg:$0x14];
	v26 =	vperm.xlane v17, v5;
	v20 =	vadd.s32 v3, v25  }
0xd9: {  	[tilespmem:s5], [sflag:$0x1] =	stream.indirect_vreg.gather [hbm4b:s12+s2], $0x80, v18, vm0, $0xb8;
	[tilespmem:$0x1D000] =	vst v63  }
0xda: {  	v27 =	vperm.xlane v17, v6;
	s5 =	rddreg [dreg:$0x16];
	v18 =	vadd.s32 v3, v26  }
0xdb: {  	[tilespmem:s11], [sflag:$0x1] =	stream.indirect_vreg.gather [hbm4b:s12+s2], $0x80, v19, vm0, $0xb8;
	[tilespmem:$0x1D000] =	vst v63  }
0xdc: {  	v28 =	vperm.xlane v17, v7;
	s11 =	rddreg [dreg:$0x17];
	v19 =	vadd.s32 v3, v27  }
0xdd: {  	[tilespmem:s5], [sflag:$0x1] =	stream.indirect_vreg.gather [hbm4b:s12+s2], $0x80, v20, vm0, $0xb8;
	[tilespmem:$0x1D000] =	vst v63  }
0xde: {  	v30 =	vperm.xlane v17, v8;
	v29 =	vadd.s32 v3, v28;
	s5 =	rddreg [dreg:$0x18]  }
0xdf: {  	[tilespmem:s11], [sflag:$0x1] =	stream.indirect_vreg.gather [hbm4b:s12+s2], $0x80, v18, vm0, $0xb8;
	[tilespmem:$0x1D000] =	vst v63  }
0xe0: {  	v31 =	vperm.xlane v17, v0;
	s11 =	rddreg [dreg:$0x19];
	v18 =	vadd.s32 v3, v30  }
0xe1: {  	[tilespmem:s5], [sflag:$0x1] =	stream.indirect_vreg.gather [hbm4b:s12+s2], $0x80, v19, vm0, $0xb8;
	[tilespmem:$0x1D000] =	vst v63  }
0xe2: {  	v32 =	vperm.xlane v17, v9;
	s5 =	rddreg [dreg:$0x1a];
	v19 =	vadd.s32 v3, v31  }
0xe3: {  	[tilespmem:s11], [sflag:$0x1] =	stream.indirect_vreg.gather [hbm4b:s12+s2], $0x80, v29, vm0, $0xb8;
	[tilespmem:$0x1D000] =	vst v63  }
0xe4: {  	v34 =	vperm.xlane v17, v10;
	v33 =	vadd.s32 v3, v32;
	s11 =	rddreg [dreg:$0x1b]  }
0xe5: {  	[tilespmem:s5], [sflag:$0x1] =	stream.indirect_vreg.gather [hbm4b:s12+s2], $0x80, v18, vm0, $0xb8;
	[tilespmem:$0x1D000] =	vst v63  }
0xe6: {  	v35 =	vperm.xlane v17, v11;
	s5 =	rddreg [dreg:$0x1c];
	v18 =	vadd.s32 v3, v34  }
0xe7: {  	[tilespmem:s11], [sflag:$0x1] =	stream.indirect_vreg.gather [hbm4b:s12+s2], $0x80, v19, vm0, $0xb8;
	[tilespmem:$0x1D000] =	vst v63  }
0xe8: {  	v36 =	vperm.xlane v17, v12;
	s11 =	rddreg [dreg:$0x1d];
	v19 =	vadd.s32 v3, v35  }
0xe9: {  	[tilespmem:s5], [sflag:$0x1] =	stream.indirect_vreg.gather [hbm4b:s12+s2], $0x80, v33, vm0, $0xb8;
	[tilespmem:$0x1D000] =	vst v63  }
0xea: {  	v38 =	vperm.xlane v17, v13;
	v37 =	vadd.s32 v3, v36;
	s5 =	rddreg [dreg:$0x1e]  }
0xeb: {  	[tilespmem:s11], [sflag:$0x1] =	stream.indirect_vreg.gather [hbm4b:s12+s2], $0x80, v18, vm0, $0xb8;
	[tilespmem:$0x1D000] =	vst v63  }
0xec: {  	v39 =	vperm.xlane v17, v14;
	s11 =	rddreg [dreg:$0x1f];
	v18 =	vadd.s32 v3, v38  }
0xed: {  	[tilespmem:s5], [sflag:$0x1] =	stream.indirect_vreg.gather [hbm4b:s12+s2], $0x80, v19, vm0, $0xb8;
	[tilespmem:$0x1D000] =	vst v63  }
0xee: {  	v40 =	vperm.xlane v17, v15;
	s5 =	sld [smem:$0x7A4];
	v19 =	vadd.s32 v3, v39  }
0xef: {  	[tilespmem:s11], [sflag:$0x1] =	stream.indirect_vreg.gather [hbm4b:s12+s2], $0x80, v37, vm0, $0xb8;
	[tilespmem:$0x1D000] =	vst v63  }
0xf0: {  	v17 =	vperm.xlane v17, v16;
	v41 =	vadd.s32 v3, v40;
	s11 =	sld [smem:$0x7A5]  }
0xf1: {  	[tilespmem:s5], [sflag:$0x1] =	stream.indirect_vreg.gather [hbm4b:s12+s2], $0x80, v18, vm0, $0xb8;
	[tilespmem:$0x1D000] =	vst v63  }
0xf2: {  	v17 =	vadd.s32 v3, v17;
	s5 =	sld [smem:$0x7A6]  }
0xf3: {  	[tilespmem:s11], [sflag:$0x1] =	stream.indirect_vreg.gather [hbm4b:s12+s2], $0x80, v19, vm0, $0xb8;
	[tilespmem:$0x1D000] =	vst v63  }
0xf4: {  	s11 =	sld [smem:$0x7A7]  }
0xf5: {  	[tilespmem:s5], [sflag:$0x1] =	stream.indirect_vreg.gather [hbm4b:s12+s2], $0x80, v41, vm0, $0xb8;
	[tilespmem:$0x1D000] =	vst v63  }
0xf6: {  	_ = 	snop  }
0xf7: {  	[tilespmem:s11], [sflag:$0x1] =	stream.indirect_vreg.gather [hbm4b:s12+s2], $0x80, v17, vm0, $0xb8;
	[tilespmem:$0x1D000] =	vst v63  }
0xf8: {  	v17 =	vld [tilespmem:s14+$0x14020];
	_ =	sdelay $0x4  }
0xf9: {  	v18 =	vshll.u32 v17, $0x1  }
0xfa: {  	v17 =	vand.u32 $0x7, v17;
	v18 =	vand.u32 $0xFFFFFFF0, v18  }
0xfb: {  	v17 =	vor.u32 v17, v18  }
0xfc: {  	v18 =	vperm.xlane v17, v2;
	_ =	sdelay $0x1  }
0xfd: {  	v19 =	vperm.xlane v17, v1;
	v18 =	vadd.s32 v3, v18;
	_ =	sdelay $0x1  }
0xfe: {  	s5 =	sld [smem:$0x7A8];
	v42 =	vperm.xlane v17, v4;
	v19 =	vadd.s32 v3, v19;
	_ =	sdelay $0x1  }
0xff: {  	s11 =	sld [smem:$0x7A9];
	v43 =	vperm.xlane v17, v5;
	v20 =	vadd.s32 v3, v42  }
0x100: {  	[tilespmem:s5], [sflag:$0x1] =	stream.indirect_vreg.gather [hbm4b:s12+s2], $0x80, v18, vm0, $0xb8;
	[tilespmem:$0x1D000] =	vst v63  }
0x101: {  	v44 =	vperm.xlane v17, v6;
	s5 =	sld [smem:$0x7AA];
	v18 =	vadd.s32 v3, v43  }
0x102: {  	[tilespmem:s11], [sflag:$0x1] =	stream.indirect_vreg.gather [hbm4b:s12+s2], $0x80, v19, vm0, $0xb8;
	[tilespmem:$0x1D000] =	vst v63  }
0x103: {  	v45 =	vperm.xlane v17, v7;
	s11 =	sld [smem:$0x7AB];
	v19 =	vadd.s32 v3, v44  }
0x104: {  	[tilespmem:s5], [sflag:$0x1] =	stream.indirect_vreg.gather [hbm4b:s12+s2], $0x80, v20, vm0, $0xb8;
	[tilespmem:$0x1D000] =	vst v63  }
0x105: {  	v47 =	vperm.xlane v17, v8;
	v46 =	vadd.s32 v3, v45;
	s5 =	sld [smem:$0x7AC]  }
0x106: {  	[tilespmem:s11], [sflag:$0x1] =	stream.indirect_vreg.gather [hbm4b:s12+s2], $0x80, v18, vm0, $0xb8;
	[tilespmem:$0x1D000] =	vst v63  }
0x107: {  	v48 =	vperm.xlane v17, v0;
	s11 =	sld [smem:$0x7AD];
	v18 =	vadd.s32 v3, v47  }
0x108: {  	[tilespmem:s5], [sflag:$0x1] =	stream.indirect_vreg.gather [hbm4b:s12+s2], $0x80, v19, vm0, $0xb8;
	[tilespmem:$0x1D000] =	vst v63  }
0x109: {  	v49 =	vperm.xlane v17, v9;
	s5 =	sld [smem:$0x7AE];
	v19 =	vadd.s32 v3, v48  }
0x10a: {  	[tilespmem:s11], [sflag:$0x1] =	stream.indirect_vreg.gather [hbm4b:s12+s2], $0x80, v46, vm0, $0xb8;
	[tilespmem:$0x1D000] =	vst v63  }
0x10b: {  	v51 =	vperm.xlane v17, v10;
	v50 =	vadd.s32 v3, v49;
	s11 =	sld [smem:$0x7AF]  }
0x10c: {  	[tilespmem:s5], [sflag:$0x1] =	stream.indirect_vreg.gather [hbm4b:s12+s2], $0x80, v18, vm0, $0xb8;
	[tilespmem:$0x1D000] =	vst v63  }
0x10d: {  	v52 =	vperm.xlane v17, v11;
	s5 =	sld [smem:$0x7B0];
	v18 =	vadd.s32 v3, v51  }
0x10e: {  	[tilespmem:s11], [sflag:$0x1] =	stream.indirect_vreg.gather [hbm4b:s12+s2], $0x80, v19, vm0, $0xb8;
	[tilespmem:$0x1D000] =	vst v63  }
0x10f: {  	v53 =	vperm.xlane v17, v12;
	s11 =	sld [smem:$0x7B1];
	v19 =	vadd.s32 v3, v52  }
0x110: {  	[tilespmem:s5], [sflag:$0x1] =	stream.indirect_vreg.gather [hbm4b:s12+s2], $0x80, v50, vm0, $0xb8;
	[tilespmem:$0x1D000] =	vst v63  }
0x111: {  	v55 =	vperm.xlane v17, v13;
	v54 =	vadd.s32 v3, v53;
	s5 =	sld [smem:$0x7B2]  }
0x112: {  	[tilespmem:s11], [sflag:$0x1] =	stream.indirect_vreg.gather [hbm4b:s12+s2], $0x80, v18, vm0, $0xb8;
	[tilespmem:$0x1D000] =	vst v63  }
0x113: {  	v56 =	vperm.xlane v17, v14;
	s11 =	sld [smem:$0x7B3];
	v18 =	vadd.s32 v3, v55  }
0x114: {  	[tilespmem:s5], [sflag:$0x1] =	stream.indirect_vreg.gather [hbm4b:s12+s2], $0x80, v19, vm0, $0xb8;
	[tilespmem:$0x1D000] =	vst v63  }
0x115: {  	v57 =	vperm.xlane v17, v15;
	s5 =	sld [smem:$0x7B4];
	v19 =	vadd.s32 v3, v56  }
0x116: {  	[tilespmem:s11], [sflag:$0x1] =	stream.indirect_vreg.gather [hbm4b:s12+s2], $0x80, v54, vm0, $0xb8;
	[tilespmem:$0x1D000] =	vst v63  }
0x117: {  	v17 =	vperm.xlane v17, v16;
	v58 =	vadd.s32 v3, v57;
	s11 =	sld [smem:$0x7B5]  }
0x118: {  	[tilespmem:s5], [sflag:$0x1] =	stream.indirect_vreg.gather [hbm4b:s12+s2], $0x80, v18, vm0, $0xb8;
	[tilespmem:$0x1D000] =	vst v63  }
0x119: {  	v17 =	vadd.s32 v3, v17;
	s5 =	sld [smem:$0x7B6]  }
0x11a: {  	[tilespmem:s11], [sflag:$0x1] =	stream.indirect_vreg.gather [hbm4b:s12+s2], $0x80, v19, vm0, $0xb8;
	[tilespmem:$0x1D000] =	vst v63  }
0x11b: {  	s11 =	sld [smem:$0x7B7]  }
0x11c: {  	[tilespmem:s5], [sflag:$0x1] =	stream.indirect_vreg.gather [hbm4b:s12+s2], $0x80, v58, vm0, $0xb8;
	[tilespmem:$0x1D000] =	vst v63  }
0x11d: {  	_ = 	snop  }
0x11e: {  	[tilespmem:s11], [sflag:$0x1] =	stream.indirect_vreg.gather [hbm4b:s12+s2], $0x80, v17, vm0, $0xb8;
	[tilespmem:$0x1D000] =	vst v63  }
0x11f: {  	v17 =	vld [tilespmem:s14+$0x14030];
	_ =	sdelay $0x4  }
0x120: {  	v18 =	vshll.u32 v17, $0x1  }
0x121: {  	v17 =	vand.u32 $0x7, v17;
	v18 =	vand.u32 $0xFFFFFFF0, v18  }
0x122: {  	v17 =	vor.u32 v17, v18  }
0x123: {  	v18 =	vperm.xlane v17, v2;
	_ =	sdelay $0x1  }
0x124: {  	v19 =	vperm.xlane v17, v1;
	v18 =	vadd.s32 v3, v18;
	_ =	sdelay $0x1  }
0x125: {  	s5 =	sld [smem:$0x7B8];
	v59 =	vperm.xlane v17, v4;
	v19 =	vadd.s32 v3, v19;
	_ =	sdelay $0x1  }
0x126: {  	s11 =	sld [smem:$0x7B9];
	v60 =	vperm.xlane v17, v5;
	v20 =	vadd.s32 v3, v59  }
0x127: {  	[tilespmem:s5], [sflag:$0x1] =	stream.indirect_vreg.gather [hbm4b:s12+s2], $0x80, v18, vm0, $0xb8;
	[tilespmem:$0x1D000] =	vst v63  }
0x128: {  	v61 =	vperm.xlane v17, v6;
	s5 =	sld [smem:$0x7BA];
	v18 =	vadd.s32 v3, v60  }
0x129: {  	[tilespmem:s11], [sflag:$0x1] =	stream.indirect_vreg.gather [hbm4b:s12+s2], $0x80, v19, vm0, $0xb8;
	[tilespmem:$0x1D000] =	vst v63  }
0x12a: {  	v62 =	vperm.xlane v17, v7;
	s11 =	sld [smem:$0x7BB];
	v19 =	vadd.s32 v3, v61  }
0x12b: {  	[tilespmem:s5], [sflag:$0x1] =	stream.indirect_vreg.gather [hbm4b:s12+s2], $0x80, v20, vm0, $0xb8;
	[tilespmem:$0x1D000] =	vst v63  }
0x12c: {  	v24 =	vperm.xlane v17, v8;
	v63 =	vadd.s32 v3, v62;
	s5 =	sld [smem:$0x7BC]  }
0x12d: {  	[tilespmem:s11], [sflag:$0x1] =	stream.indirect_vreg.gather [hbm4b:s12+s2], $0x80, v18, vm0, $0xb8;
	[tilespmem:$0x1D000] =	vst v63  }
0x12e: {  	v25 =	vperm.xlane v17, v0;
	s11 =	sld [smem:$0x7BD];
	v18 =	vadd.s32 v3, v24  }
0x12f: {  	[tilespmem:s5], [sflag:$0x1] =	stream.indirect_vreg.gather [hbm4b:s12+s2], $0x80, v19, vm0, $0xb8;
	[tilespmem:$0x1D000] =	vst v63  }
0x130: {  	v26 =	vperm.xlane v17, v9;
	s5 =	sld [smem:$0x7BE];
	v19 =	vadd.s32 v3, v25  }
0x131: {  	[tilespmem:s11], [sflag:$0x1] =	stream.indirect_vreg.gather [hbm4b:s12+s2], $0x80, v63, vm0, $0xb8;
	[tilespmem:$0x1D000] =	vst v63  }
0x132: {  	v28 =	vperm.xlane v17, v10;
	v27 =	vadd.s32 v3, v26;
	s11 =	sld [smem:$0x7BF]  }
0x133: {  	[tilespmem:s5], [sflag:$0x1] =	stream.indirect_vreg.gather [hbm4b:s12+s2], $0x80, v18, vm0, $0xb8;
	[tilespmem:$0x1D000] =	vst v63  }
0x134: {  	v29 =	vperm.xlane v17, v11;
	s5 =	sld [smem:$0x7C0];
	v18 =	vadd.s32 v3, v28  }
0x135: {  	[tilespmem:s11], [sflag:$0x1] =	stream.indirect_vreg.gather [hbm4b:s12+s2], $0x80, v19, vm0, $0xb8;
	[tilespmem:$0x1D000] =	vst v63  }
0x136: {  	v30 =	vperm.xlane v17, v12;
	s11 =	sld [smem:$0x7C1];
	v19 =	vadd.s32 v3, v29  }
0x137: {  	[tilespmem:s5], [sflag:$0x1] =	stream.indirect_vreg.gather [hbm4b:s12+s2], $0x80, v27, vm0, $0xb8;
	[tilespmem:$0x1D000] =	vst v63  }
0x138: {  	v32 =	vperm.xlane v17, v13;
	v31 =	vadd.s32 v3, v30;
	s5 =	sld [smem:$0x7C2]  }
0x139: {  	[tilespmem:s11], [sflag:$0x1] =	stream.indirect_vreg.gather [hbm4b:s12+s2], $0x80, v18, vm0, $0xb8;
	[tilespmem:$0x1D000] =	vst v63  }
0x13a: {  	v33 =	vperm.xlane v17, v14;
	s11 =	sld [smem:$0x7C3];
	v18 =	vadd.s32 v3, v32  }
0x13b: {  	[tilespmem:s5], [sflag:$0x1] =	stream.indirect_vreg.gather [hbm4b:s12+s2], $0x80, v19, vm0, $0xb8;
	[tilespmem:$0x1D000] =	vst v63  }
0x13c: {  	v34 =	vperm.xlane v17, v15;
	s5 =	sld [smem:$0x7C4];
	v19 =	vadd.s32 v3, v33  }
0x13d: {  	[tilespmem:s11], [sflag:$0x1] =	stream.indirect_vreg.gather [hbm4b:s12+s2], $0x80, v31, vm0, $0xb8;
	[tilespmem:$0x1D000] =	vst v63  }
0x13e: {  	v17 =	vperm.xlane v17, v16;
	v35 =	vadd.s32 v3, v34;
	s11 =	sld [smem:$0x7C5]  }
0x13f: {  	[tilespmem:s5], [sflag:$0x1] =	stream.indirect_vreg.gather [hbm4b:s12+s2], $0x80, v18, vm0, $0xb8;
	[tilespmem:$0x1D000] =	vst v63  }
0x140: {  	v17 =	vadd.s32 v3, v17;
	s5 =	sld [smem:$0x7C6]  }
0x141: {  	[tilespmem:s11], [sflag:$0x1] =	stream.indirect_vreg.gather [hbm4b:s12+s2], $0x80, v19, vm0, $0xb8;
	[tilespmem:$0x1D000] =	vst v63  }
0x142: {  	s11 =	sld [smem:$0x7C7]  }
0x143: {  	[tilespmem:s5], [sflag:$0x1] =	stream.indirect_vreg.gather [hbm4b:s12+s2], $0x80, v35, vm0, $0xb8;
	[tilespmem:$0x1D000] =	vst v63  }
0x144: {  	_ = 	snop  }
0x145: {  	[tilespmem:s11], [sflag:$0x1] =	stream.indirect_vreg.gather [hbm4b:s12+s2], $0x80, v17, vm0, $0xb8;
	[tilespmem:$0x1D000] =	vst v63  }
0x146: {  	v17 =	vld [tilespmem:s14+$0x14040];
	_ =	sdelay $0x4  }
0x147: {  	v18 =	vshll.u32 v17, $0x1  }
0x148: {  	v17 =	vand.u32 $0x7, v17;
	v18 =	vand.u32 $0xFFFFFFF0, v18  }
0x149: {  	v17 =	vor.u32 v17, v18  }
0x14a: {  	v18 =	vperm.xlane v17, v2;
	_ =	sdelay $0x1  }
0x14b: {  	v19 =	vperm.xlane v17, v1;
	v18 =	vadd.s32 v3, v18;
	_ =	sdelay $0x1  }
0x14c: {  	s5 =	sld [smem:$0x7C8];
	v36 =	vperm.xlane v17, v4;
	v19 =	vadd.s32 v3, v19;
	_ =	sdelay $0x1  }
0x14d: {  	s11 =	sld [smem:$0x7C9];
	v37 =	vperm.xlane v17, v5;
	v20 =	vadd.s32 v3, v36  }
0x14e: {  	[tilespmem:s5], [sflag:$0x1] =	stream.indirect_vreg.gather [hbm4b:s12+s2], $0x80, v18, vm0, $0xb8;
	[tilespmem:$0x1D000] =	vst v63  }
0x14f: {  	v38 =	vperm.xlane v17, v6;
	s5 =	sld [smem:$0x7CA];
	v18 =	vadd.s32 v3, v37  }
0x150: {  	[tilespmem:s11], [sflag:$0x1] =	stream.indirect_vreg.gather [hbm4b:s12+s2], $0x80, v19, vm0, $0xb8;
	[tilespmem:$0x1D000] =	vst v63  }
0x151: {  	v39 =	vperm.xlane v17, v7;
	s11 =	sld [smem:$0x7CB];
	v19 =	vadd.s32 v3, v38  }
0x152: {  	[tilespmem:s5], [sflag:$0x1] =	stream.indirect_vreg.gather [hbm4b:s12+s2], $0x80, v20, vm0, $0xb8;
	[tilespmem:$0x1D000] =	vst v63  }
0x153: {  	v41 =	vperm.xlane v17, v8;
	v40 =	vadd.s32 v3, v39;
	s5 =	sld [smem:$0x7CC]  }
0x154: {  	[tilespmem:s11], [sflag:$0x1] =	stream.indirect_vreg.gather [hbm4b:s12+s2], $0x80, v18, vm0, $0xb8;
	[tilespmem:$0x1D000] =	vst v63  }
0x155: {  	v42 =	vperm.xlane v17, v0;
	s11 =	sld [smem:$0x7CD];
	v18 =	vadd.s32 v3, v41  }
0x156: {  	[tilespmem:s5], [sflag:$0x1] =	stream.indirect_vreg.gather [hbm4b:s12+s2], $0x80, v19, vm0, $0xb8;
	[tilespmem:$0x1D000] =	vst v63  }
0x157: {  	v43 =	vperm.xlane v17, v9;
	s5 =	sld [smem:$0x7CE];
	v19 =	vadd.s32 v3, v42  }
0x158: {  	[tilespmem:s11], [sflag:$0x1] =	stream.indirect_vreg.gather [hbm4b:s12+s2], $0x80, v40, vm0, $0xb8;
	[tilespmem:$0x1D000] =	vst v63  }
0x159: {  	v45 =	vperm.xlane v17, v10;
	v44 =	vadd.s32 v3, v43;
	s11 =	sld [smem:$0x7CF]  }
0x15a: {  	[tilespmem:s5], [sflag:$0x1] =	stream.indirect_vreg.gather [hbm4b:s12+s2], $0x80, v18, vm0, $0xb8;
	[tilespmem:$0x1D000] =	vst v63  }
0x15b: {  	v46 =	vperm.xlane v17, v11;
	s5 =	sld [smem:$0x7D0];
	v18 =	vadd.s32 v3, v45  }
0x15c: {  	[tilespmem:s11], [sflag:$0x1] =	stream.indirect_vreg.gather [hbm4b:s12+s2], $0x80, v19, vm0, $0xb8;
	[tilespmem:$0x1D000] =	vst v63  }
0x15d: {  	v47 =	vperm.xlane v17, v12;
	s11 =	sld [smem:$0x7D1];
	v19 =	vadd.s32 v3, v46  }
0x15e: {  	[tilespmem:s5], [sflag:$0x1] =	stream.indirect_vreg.gather [hbm4b:s12+s2], $0x80, v44, vm0, $0xb8;
	[tilespmem:$0x1D000] =	vst v63  }
0x15f: {  	v49 =	vperm.xlane v17, v13;
	v48 =	vadd.s32 v3, v47;
	s5 =	sld [smem:$0x7D2]  }
0x160: {  	[tilespmem:s11], [sflag:$0x1] =	stream.indirect_vreg.gather [hbm4b:s12+s2], $0x80, v18, vm0, $0xb8;
	[tilespmem:$0x1D000] =	vst v63  }
0x161: {  	v50 =	vperm.xlane v17, v14;
	s11 =	sld [smem:$0x7D3];
	v18 =	vadd.s32 v3, v49  }
0x162: {  	[tilespmem:s5], [sflag:$0x1] =	stream.indirect_vreg.gather [hbm4b:s12+s2], $0x80, v19, vm0, $0xb8;
	[tilespmem:$0x1D000] =	vst v63  }
0x163: {  	v51 =	vperm.xlane v17, v15;
	s5 =	sld [smem:$0x7D4];
	v19 =	vadd.s32 v3, v50  }
0x164: {  	[tilespmem:s11], [sflag:$0x1] =	stream.indirect_vreg.gather [hbm4b:s12+s2], $0x80, v48, vm0, $0xb8;
	[tilespmem:$0x1D000] =	vst v63  }
0x165: {  	v17 =	vperm.xlane v17, v16;
	v52 =	vadd.s32 v3, v51;
	s11 =	sld [smem:$0x7D5]  }
0x166: {  	[tilespmem:s5], [sflag:$0x1] =	stream.indirect_vreg.gather [hbm4b:s12+s2], $0x80, v18, vm0, $0xb8;
	[tilespmem:$0x1D000] =	vst v63  }
0x167: {  	v17 =	vadd.s32 v3, v17;
	s5 =	sld [smem:$0x7D6]  }
0x168: {  	[tilespmem:s11], [sflag:$0x1] =	stream.indirect_vreg.gather [hbm4b:s12+s2], $0x80, v19, vm0, $0xb8;
	[tilespmem:$0x1D000] =	vst v63  }
0x169: {  	s11 =	sld [smem:$0x7D7]  }
0x16a: {  	[tilespmem:s5], [sflag:$0x1] =	stream.indirect_vreg.gather [hbm4b:s12+s2], $0x80, v52, vm0, $0xb8;
	[tilespmem:$0x1D000] =	vst v63  }
0x16b: {  	_ = 	snop  }
0x16c: {  	[tilespmem:s11], [sflag:$0x1] =	stream.indirect_vreg.gather [hbm4b:s12+s2], $0x80, v17, vm0, $0xb8;
	[tilespmem:$0x1D000] =	vst v63  }
0x16d: {  	v17 =	vld [tilespmem:s14+$0x14050];
	_ =	sdelay $0x4  }
0x16e: {  	v18 =	vshll.u32 v17, $0x1  }
0x16f: {  	v17 =	vand.u32 $0x7, v17;
	v18 =	vand.u32 $0xFFFFFFF0, v18  }
0x170: {  	v17 =	vor.u32 v17, v18  }
0x171: {  	v18 =	vperm.xlane v17, v2;
	_ =	sdelay $0x1  }
0x172: {  	v19 =	vperm.xlane v17, v1;
	v18 =	vadd.s32 v3, v18;
	_ =	sdelay $0x1  }
0x173: {  	s5 =	sld [smem:$0x7D8];
	v53 =	vperm.xlane v17, v4;
	v19 =	vadd.s32 v3, v19;
	_ =	sdelay $0x1  }
0x174: {  	s11 =	sld [smem:$0x7D9];
	v54 =	vperm.xlane v17, v5;
	v20 =	vadd.s32 v3, v53  }
0x175: {  	[tilespmem:s5], [sflag:$0x1] =	stream.indirect_vreg.gather [hbm4b:s12+s2], $0x80, v18, vm0, $0xb8;
	[tilespmem:$0x1D000] =	vst v63  }
0x176: {  	v55 =	vperm.xlane v17, v6;
	s5 =	sld [smem:$0x7DA];
	v18 =	vadd.s32 v3, v54  }
0x177: {  	[tilespmem:s11], [sflag:$0x1] =	stream.indirect_vreg.gather [hbm4b:s12+s2], $0x80, v19, vm0, $0xb8;
	[tilespmem:$0x1D000] =	vst v63  }
0x178: {  	v56 =	vperm.xlane v17, v7;
	s11 =	sld [smem:$0x7DC];
	v19 =	vadd.s32 v3, v55  }
0x179: {  	[tilespmem:s5], [sflag:$0x1] =	stream.indirect_vreg.gather [hbm4b:s12+s2], $0x80, v20, vm0, $0xb8;
	[tilespmem:$0x1D000] =	vst v63  }
0x17a: {  	v58 =	vperm.xlane v17, v8;
	v57 =	vadd.s32 v3, v56;
	s5 =	sld [smem:$0x7DD]  }
0x17b: {  	[tilespmem:s11], [sflag:$0x1] =	stream.indirect_vreg.gather [hbm4b:s12+s2], $0x80, v18, vm0, $0xb8;
	[tilespmem:$0x1D000] =	vst v63  }
0x17c: {  	v59 =	vperm.xlane v17, v0;
	s11 =	sld [smem:$0x7DE];
	v18 =	vadd.s32 v3, v58  }
0x17d: {  	[tilespmem:s5], [sflag:$0x1] =	stream.indirect_vreg.gather [hbm4b:s12+s2], $0x80, v19, vm0, $0xb8;
	[tilespmem:$0x1D000] =	vst v63  }
0x17e: {  	v60 =	vperm.xlane v17, v9;
	s5 =	sld [smem:$0x7DF];
	v19 =	vadd.s32 v3, v59  }
0x17f: {  	[tilespmem:s11], [sflag:$0x1] =	stream.indirect_vreg.gather [hbm4b:s12+s2], $0x80, v57, vm0, $0xb8;
	[tilespmem:$0x1D000] =	vst v63  }
0x180: {  	v62 =	vperm.xlane v17, v10;
	v61 =	vadd.s32 v3, v60;
	s11 =	sld [smem:$0x7E0]  }
0x181: {  	[tilespmem:s5], [sflag:$0x1] =	stream.indirect_vreg.gather [hbm4b:s12+s2], $0x80, v18, vm0, $0xb8;
	[tilespmem:$0x1D000] =	vst v63  }
0x182: {  	v63 =	vperm.xlane v17, v11;
	s5 =	sld [smem:$0x7E1];
	v18 =	vadd.s32 v3, v62  }
0x183: {  	[tilespmem:s11], [sflag:$0x1] =	stream.indirect_vreg.gather [hbm4b:s12+s2], $0x80, v19, vm0, $0xb8;
	[tilespmem:$0x1D000] =	vst v63  }
0x184: {  	v24 =	vperm.xlane v17, v12;
	s11 =	sld [smem:$0x7E2];
	v19 =	vadd.s32 v3, v63  }
0x185: {  	[tilespmem:s5], [sflag:$0x1] =	stream.indirect_vreg.gather [hbm4b:s12+s2], $0x80, v61, vm0, $0xb8;
	[tilespmem:$0x1D000] =	vst v63  }
0x186: {  	v26 =	vperm.xlane v17, v13;
	v25 =	vadd.s32 v3, v24;
	s5 =	sld [smem:$0x7E3]  }
0x187: {  	[tilespmem:s11], [sflag:$0x1] =	stream.indirect_vreg.gather [hbm4b:s12+s2], $0x80, v18, vm0, $0xb8;
	[tilespmem:$0x1D000] =	vst v63  }
0x188: {  	v27 =	vperm.xlane v17, v14;
	s11 =	sld [smem:$0x7E4];
	v18 =	vadd.s32 v3, v26  }
0x189: {  	[tilespmem:s5], [sflag:$0x1] =	stream.indirect_vreg.gather [hbm4b:s12+s2], $0x80, v19, vm0, $0xb8;
	[tilespmem:$0x1D000] =	vst v63  }
0x18a: {  	v28 =	vperm.xlane v17, v15;
	s5 =	sld [smem:$0x7E5];
	v19 =	vadd.s32 v3, v27  }
0x18b: {  	[tilespmem:s11], [sflag:$0x1] =	stream.indirect_vreg.gather [hbm4b:s12+s2], $0x80, v25, vm0, $0xb8;
	[tilespmem:$0x1D000] =	vst v63  }
0x18c: {  	v17 =	vperm.xlane v17, v16;
	v29 =	vadd.s32 v3, v28;
	s11 =	sld [smem:$0x7E7]  }
0x18d: {  	[tilespmem:s5], [sflag:$0x1] =	stream.indirect_vreg.gather [hbm4b:s12+s2], $0x80, v18, vm0, $0xb8;
	[tilespmem:$0x1D000] =	vst v63  }
0x18e: {  	v17 =	vadd.s32 v3, v17;
	s5 =	sld [smem:$0x7E9]  }
0x18f: {  	[tilespmem:s11], [sflag:$0x1] =	stream.indirect_vreg.gather [hbm4b:s12+s2], $0x80, v19, vm0, $0xb8;
	[tilespmem:$0x1D000] =	vst v63  }
0x190: {  	s11 =	sld [smem:$0x7EB]  }
0x191: {  	[tilespmem:s5], [sflag:$0x1] =	stream.indirect_vreg.gather [hbm4b:s12+s2], $0x80, v29, vm0, $0xb8;
	[tilespmem:$0x1D000] =	vst v63  }
0x192: {  	_ = 	snop  }
0x193: {  	[tilespmem:s11], [sflag:$0x1] =	stream.indirect_vreg.gather [hbm4b:s12+s2], $0x80, v17, vm0, $0xb8;
	[tilespmem:$0x1D000] =	vst v63  }
0x194: {  	v17 =	vld [tilespmem:s14+$0x14060];
	_ =	sdelay $0x4  }
0x195: {  	v18 =	vshll.u32 v17, $0x1  }
0x196: {  	v17 =	vand.u32 $0x7, v17;
	v18 =	vand.u32 $0xFFFFFFF0, v18  }
0x197: {  	v17 =	vor.u32 v17, v18  }
0x198: {  	v18 =	vperm.xlane v17, v2;
	_ =	sdelay $0x1  }
0x199: {  	v19 =	vperm.xlane v17, v1;
	v18 =	vadd.s32 v3, v18;
	_ =	sdelay $0x1  }
0x19a: {  	s5 =	sld [smem:$0x7ED];
	v30 =	vperm.xlane v17, v4;
	v19 =	vadd.s32 v3, v19;
	_ =	sdelay $0x1  }
0x19b: {  	s11 =	sld [smem:$0x7EF];
	v31 =	vperm.xlane v17, v5;
	v20 =	vadd.s32 v3, v30  }
0x19c: {  	[tilespmem:s5], [sflag:$0x1] =	stream.indirect_vreg.gather [hbm4b:s12+s2], $0x80, v18, vm0, $0xb8;
	[tilespmem:$0x1D000] =	vst v63  }
0x19d: {  	v32 =	vperm.xlane v17, v6;
	s5 =	sld [smem:$0x7F1];
	v18 =	vadd.s32 v3, v31  }
0x19e: {  	[tilespmem:s11], [sflag:$0x1] =	stream.indirect_vreg.gather [hbm4b:s12+s2], $0x80, v19, vm0, $0xb8;
	[tilespmem:$0x1D000] =	vst v63  }
0x19f: {  	v33 =	vperm.xlane v17, v7;
	s11 =	sld [smem:$0x7F2];
	v19 =	vadd.s32 v3, v32  }
0x1a0: {  	[tilespmem:s5], [sflag:$0x1] =	stream.indirect_vreg.gather [hbm4b:s12+s2], $0x80, v20, vm0, $0xb8;
	[tilespmem:$0x1D000] =	vst v63  }
0x1a1: {  	v35 =	vperm.xlane v17, v8;
	v34 =	vadd.s32 v3, v33;
	s5 =	sld [smem:$0x7F3]  }
0x1a2: {  	[tilespmem:s11], [sflag:$0x1] =	stream.indirect_vreg.gather [hbm4b:s12+s2], $0x80, v18, vm0, $0xb8;
	[tilespmem:$0x1D000] =	vst v63  }
0x1a3: {  	v36 =	vperm.xlane v17, v0;
	s11 =	sld [smem:$0x7F5];
	v18 =	vadd.s32 v3, v35  }
0x1a4: {  	[tilespmem:s5], [sflag:$0x1] =	stream.indirect_vreg.gather [hbm4b:s12+s2], $0x80, v19, vm0, $0xb8;
	[tilespmem:$0x1D000] =	vst v63  }
0x1a5: {  	v37 =	vperm.xlane v17, v9;
	s5 =	sld [smem:$0x7F7];
	v19 =	vadd.s32 v3, v36  }
0x1a6: {  	[tilespmem:s11], [sflag:$0x1] =	stream.indirect_vreg.gather [hbm4b:s12+s2], $0x80, v34, vm0, $0xb8;
	[tilespmem:$0x1D000] =	vst v63  }
0x1a7: {  	v39 =	vperm.xlane v17, v10;
	v38 =	vadd.s32 v3, v37;
	s11 =	sld [smem:$0x7F8]  }
0x1a8: {  	[tilespmem:s5], [sflag:$0x1] =	stream.indirect_vreg.gather [hbm4b:s12+s2], $0x80, v18, vm0, $0xb8;
	[tilespmem:$0x1D000] =	vst v63  }
0x1a9: {  	v40 =	vperm.xlane v17, v11;
	s5 =	sld [smem:$0x7F9];
	v18 =	vadd.s32 v3, v39  }
0x1aa: {  	[tilespmem:s11], [sflag:$0x1] =	stream.indirect_vreg.gather [hbm4b:s12+s2], $0x80, v19, vm0, $0xb8;
	[tilespmem:$0x1D000] =	vst v63  }
0x1ab: {  	v41 =	vperm.xlane v17, v12;
	s11 =	sld [smem:$0x7FA];
	v19 =	vadd.s32 v3, v40  }
0x1ac: {  	[tilespmem:s5], [sflag:$0x1] =	stream.indirect_vreg.gather [hbm4b:s12+s2], $0x80, v38, vm0, $0xb8;
	[tilespmem:$0x1D000] =	vst v63  }
0x1ad: {  	v43 =	vperm.xlane v17, v13;
	v42 =	vadd.s32 v3, v41;
	s5 =	sld [smem:$0x7FB]  }
0x1ae: {  	[tilespmem:s11], [sflag:$0x1] =	stream.indirect_vreg.gather [hbm4b:s12+s2], $0x80, v18, vm0, $0xb8;
	[tilespmem:$0x1D000] =	vst v63  }
0x1af: {  	v44 =	vperm.xlane v17, v14;
	s11 =	sld [smem:$0x7FC];
	v18 =	vadd.s32 v3, v43  }
0x1b0: {  	[tilespmem:s5], [sflag:$0x1] =	stream.indirect_vreg.gather [hbm4b:s12+s2], $0x80, v19, vm0, $0xb8;
	[tilespmem:$0x1D000] =	vst v63  }
0x1b1: {  	v45 =	vperm.xlane v17, v15;
	v19 =	vadd.s32 v3, v44  }
0x1b2: {  	[tilespmem:s11], [sflag:$0x1] =	stream.indirect_vreg.gather [hbm4b:s12+s2], $0x80, v42, vm0, $0xb8;
	[tilespmem:$0x1D000] =	vst v63  }
0x1b3: {  	v17 =	vperm.xlane v17, v16;
	v46 =	vadd.s32 v3, v45  }
0x1b4: {  	[tilespmem:s19], [sflag:$0x1] =	stream.indirect_vreg.gather [hbm4b:s12+s2], $0x80, v18, vm0, $0xb8;
	[tilespmem:$0x1D000] =	vst v63  }
0x1b5: {  	v17 =	vadd.s32 v3, v17  }
0x1b6: {  	[tilespmem:s20], [sflag:$0x1] =	stream.indirect_vreg.gather [hbm4b:s12+s2], $0x80, v19, vm0, $0xb8;
	[tilespmem:$0x1D000] =	vst v63  }
0x1b7: {  	_ = 	snop  }
0x1b8: {  	[tilespmem:s21], [sflag:$0x1] =	stream.indirect_vreg.gather [hbm4b:s12+s2], $0x80, v46, vm0, $0xb8;
	[tilespmem:$0x1D000] =	vst v63  }
0x1b9: {  	_ = 	snop  }
0x1ba: {  	[tilespmem:s22], [sflag:$0x1] =	stream.indirect_vreg.gather [hbm4b:s12+s2], $0x80, v17, vm0, $0xb8;
	[tilespmem:$0x1D000] =	vst v63  }
0x1bb: {  	v17 =	vld [tilespmem:s14+$0x14070];
	_ =	sdelay $0x4  }
0x1bc: {  	v18 =	vshll.u32 v17, $0x1  }
0x1bd: {  	v17 =	vand.u32 $0x7, v17;
	v18 =	vand.u32 $0xFFFFFFF0, v18  }
0x1be: {  	v17 =	vor.u32 v17, v18  }
0x1bf: {  	v18 =	vperm.xlane v17, v2;
	_ =	sdelay $0x1  }
0x1c0: {  	v19 =	vperm.xlane v17, v1;
	v18 =	vadd.s32 v3, v18;
	_ =	sdelay $0x1  }
0x1c1: {  	v47 =	vperm.xlane v17, v4;
	v19 =	vadd.s32 v3, v19;
	_ =	sdelay $0x1  }
0x1c2: {  	v48 =	vperm.xlane v17, v5;
	v20 =	vadd.s32 v3, v47  }
0x1c3: {  	[tilespmem:s23], [sflag:$0x1] =	stream.indirect_vreg.gather [hbm4b:s12+s2], $0x80, v18, vm0, $0xb8;
	[tilespmem:$0x1D000] =	vst v63  }
0x1c4: {  	v49 =	vperm.xlane v17, v6;
	v18 =	vadd.s32 v3, v48  }
0x1c5: {  	[tilespmem:s24], [sflag:$0x1] =	stream.indirect_vreg.gather [hbm4b:s12+s2], $0x80, v19, vm0, $0xb8;
	[tilespmem:$0x1D000] =	vst v63  }
0x1c6: {  	v50 =	vperm.xlane v17, v7;
	v19 =	vadd.s32 v3, v49  }
0x1c7: {  	[tilespmem:s25], [sflag:$0x1] =	stream.indirect_vreg.gather [hbm4b:s12+s2], $0x80, v20, vm0, $0xb8;
	[tilespmem:$0x1D000] =	vst v63  }
0x1c8: {  	v52 =	vperm.xlane v17, v8;
	v51 =	vadd.s32 v3, v50  }
0x1c9: {  	[tilespmem:s26], [sflag:$0x1] =	stream.indirect_vreg.gather [hbm4b:s12+s2], $0x80, v18, vm0, $0xb8;
	[tilespmem:$0x1D000] =	vst v63  }
0x1ca: {  	v53 =	vperm.xlane v17, v0;
	v18 =	vadd.s32 v3, v52  }
0x1cb: {  	[tilespmem:s28], [sflag:$0x1] =	stream.indirect_vreg.gather [hbm4b:s12+s2], $0x80, v19, vm0, $0xb8;
	[tilespmem:$0x1D000] =	vst v63  }
0x1cc: {  	v54 =	vperm.xlane v17, v9;
	v19 =	vadd.s32 v3, v53  }
0x1cd: {  	[tilespmem:s29], [sflag:$0x1] =	stream.indirect_vreg.gather [hbm4b:s12+s2], $0x80, v51, vm0, $0xb8;
	[tilespmem:$0x1D000] =	vst v63  }
0x1ce: {  	v56 =	vperm.xlane v17, v10;
	v55 =	vadd.s32 v3, v54  }
0x1cf: {  	[tilespmem:s30], [sflag:$0x1] =	stream.indirect_vreg.gather [hbm4b:s12+s2], $0x80, v18, vm0, $0xb8;
	[tilespmem:$0x1D000] =	vst v63  }
0x1d0: {  	v57 =	vperm.xlane v17, v11;
	v18 =	vadd.s32 v3, v56  }
0x1d1: {  	[tilespmem:s31], [sflag:$0x1] =	stream.indirect_vreg.gather [hbm4b:s12+s2], $0x80, v19, vm0, $0xb8;
	[tilespmem:$0x1D000] =	vst v63  }
0x1d2: {  	v58 =	vperm.xlane v17, v12;
	v19 =	vadd.s32 v3, v57  }
0x1d3: {  	[tilespmem:s0], [sflag:$0x1] =	stream.indirect_vreg.gather [hbm4b:s12+s2], $0x80, v55, vm0, $0xb8;
	[tilespmem:$0x1D000] =	vst v63  }
0x1d4: {  	v60 =	vperm.xlane v17, v13;
	v59 =	vadd.s32 v3, v58  }
0x1d5: {  	[tilespmem:s3], [sflag:$0x1] =	stream.indirect_vreg.gather [hbm4b:s12+s2], $0x80, v18, vm0, $0xb8;
	[tilespmem:$0x1D000] =	vst v63  }
0x1d6: {  	v61 =	vperm.xlane v17, v14;
	v18 =	vadd.s32 v3, v60  }
0x1d7: {  	[tilespmem:s17], [sflag:$0x1] =	stream.indirect_vreg.gather [hbm4b:s12+s2], $0x80, v19, vm0, $0xb8;
	[tilespmem:$0x1D000] =	vst v63  }
0x1d8: {  	v62 =	vperm.xlane v17, v15;
	v19 =	vadd.s32 v3, v61  }
0x1d9: {  	[tilespmem:s18], [sflag:$0x1] =	stream.indirect_vreg.gather [hbm4b:s12+s2], $0x80, v59, vm0, $0xb8;
	[tilespmem:$0x1D000] =	vst v63  }
0x1da: {  	v17 =	vperm.xlane v17, v16;
	v63 =	vadd.s32 v3, v62  }
0x1db: {  	[tilespmem:s4], [sflag:$0x1] =	stream.indirect_vreg.gather [hbm4b:s12+s2], $0x80, v18, vm0, $0xb8;
	[tilespmem:$0x1D000] =	vst v63  }
0x1dc: {  	v17 =	vadd.s32 v3, v17  }
0x1dd: {  	[tilespmem:s6], [sflag:$0x1] =	stream.indirect_vreg.gather [hbm4b:s12+s2], $0x80, v19, vm0, $0xb8;
	[tilespmem:$0x1D000] =	vst v63  }
0x1de: {  	_ = 	snop  }
0x1df: {  	[tilespmem:s7], [sflag:$0x1] =	stream.indirect_vreg.gather [hbm4b:s12+s2], $0x80, v63, vm0, $0xb8;
	[tilespmem:$0x1D000] =	vst v63  }
0x1e0: {  	_ = 	snop  }
0x1e1: {  	[tilespmem:s8], [sflag:$0x1] =	stream.indirect_vreg.gather [hbm4b:s12+s2], $0x80, v17, vm0, $0xb8;
	[tilespmem:$0x1D000] =	vst v63  }
0x1e2: {  	_ =	swait.ge [sflag:s9], $0x4000  }
0x1e3: {  	p0 =	sne.s32 s13, $0x9C00;
	[sflag:s9] =	ssyncset.done $0x0  }
.Ltmp0:
0x1e4: {  	s14 =	sadd.s32 $0x16800, s14;
	[sflag:s9] =	ssyncadd.s32 $0xFFFFC000;
	(pc) =	sbr.rel @p0 .LBB2_2-.Ltmp0, $4  }
0x1e5: {  	[spmem:s1] =	stream.indirect.scatter.add.f32 [tilespmem:s15], [sflag:$0x2], $0x80, s14, s10, $0xb8;
	[tilespmem:$0x1D000] =	vst v63  }
0x1e6: {  	_ =	swait.ge [sflag:s16], $0x4000  }
0x1e7: {  	[sflag:s16] =	ssyncset.done $0x0  }
0x1e8: {  	s13 =	sadd.s32 $0x200, s13;
	[sflag:s16] =	ssyncadd.s32 $0xFFFFC000  }
0x1e9: {  	[bflag:$0x0] =	sbarrier.arrive $0xFFFF  }
0x1ea: {  	s13 =	sld [smem:$0x7FD]  }
0x1eb: {  	s5 =	stileid.u32;
	s14 =	sld [smem:$0x7F4]  }
0x1ec: {  	s5 =	sshll.u32 s5, $0x6  }
0x1ed: {  	s5 =	sor.u32 $0x1C02, s5;
	s11 =	sshrl.u32 s13, $0x3  }
0x1ee: {  	[hbm:s14], [sflag:s5] =	dma.local [spmem:s11], $0x2800  }
0x1ef: {  	_ =	swait.ge [sflag:s16], $0x2800  }
0x1f0: {  	s5 =	sld [smem:$0x7A3]  }
0x1f1: {  	s14 =	sld [smem:$0x7F6];
	_ =	sdelay $0x1  }
0x1f2: {  	s11 =	sadd.s32 $0x1, s5  }
0x1f3: {  	p0 =	sne.s32 s11, s14  }
.Ltmp1:
0x1f4: {  	_ = 	snop;
	(pc) =	sbr.rel @p0 .LBB2_1-.Ltmp1, $3  }
0x1f5: {  	_ =	sdelay $0x1  }
0x1f6: {  	[sflag:s16] =	ssyncset.done $0x0  }
0x1f7: {  	[sflag:s16] =	ssyncadd.s32 $0xFFFFD800  }
0x1f8: {  	_ =	sfence.sel $0x180000  }
0x1f9: {  	[bflag:$0x0] =	sbarrier.arrive $0xFFFF  }
0x1fa: {  	_ =	strace $0x90000047  }
0x1fb: {  	s0 =	stileid.u32;
	[bflag:$0x2] =	sbarrier.arrive $0xFFFF  }
0x1fc: {  	p0 =	sne.s32 s0, $0x0;
	s0 =	rddreg [dreg:$0x4]  }
0x1fd: {  	s0 =	sadd.s32 @!p0 $0x100000, s0  }
0x1fe: {  	[sflag:s0] =	ssyncadd.tile.s32 @!p0 $0x1;
	_ =	shalt  }
.Lfunc_end2:
_tile_overlayer_lowered:
.L_overlay_start_2:
0x1ff: {  	(tag) =	ssettag $0x2  }
0x200: {  	s0 =	rddreg [dreg:$0x0];
	s2 =	stileid.u32  }
0x201: {  	s1 =	rddreg [dreg:$0x1];
	p0 =	sne.s32 s2, $0x0  }
0x202: {  	s3 =	rddreg [dreg:$0x2];
	[bflag:$0x3] =	sbarrier.arrive $0xFFFF;
	s2 =	simm.s32 @!p0 $0x1C02  }
0x203: {  	[timem:s3], [sflag:s2] =	dma.local @!p0 [hbm:s0], s1  }
0x204: {  	s0 =	simm.s32 @!p0 $0x2  }
0x205: {  	_ =	swait.ge @!p0 [sflag:s0], s1  }
0x206: {  	s1 =	ssub.s32 @!p0 $0x0, s1;
	[sflag:s0] =	ssyncset.done @!p0 $0x0  }
0x207: {  	[sflag:s0] =	ssyncadd.s32 @!p0 s1  }
0x208: {  	[bflag:$0x3] =	sbarrier.arrive $0xFFFF  }
0x209: {  	_ =	shalt  }

</sc_bundles>
